<compile_context>
chip_gen: v7x
topology: tpu7x:2x2x1
jax: 0.10.2.dev20260603
libtpu: 0.0.44.dev20260713+nightly
codegen_flags: <defaults>
</compile_context>

<pallas_src>
import math

import jax
import jax.numpy as jnp
from jax import lax
from jax.experimental import pallas as pl
from jax.experimental.pallas import tpu as pltpu
from jax.experimental.pallas import tpu_sc as plsc

N_HEADS = 12
NUM_BUCKETS = 32
QLEN = 2048
KLEN = 2048
N_SHIFT = 128
W_PAD = 3968
M_PAD = W_PAD + N_SHIFT
COL_HALF = KLEN // 2
SLAB_W = (QLEN - N_SHIFT) + COL_HALF


def _bucket_from_rel(rel):
    n = -rel
    ret = jnp.where(n < 0, jnp.int32(16), jnp.int32(0))
    n = jnp.abs(n)
    is_small = n < 8
    safe_n = jnp.maximum(n, 1)
    val_if_large = 8 + (
        jnp.log(safe_n.astype(jnp.float32) / 8)
        / math.log(128 / 8)
        * 8
    ).astype(jnp.int32)
    val_if_large = jnp.minimum(val_if_large, 15)
    return ret + jnp.where(is_small, n, val_if_large)


def _mt_body(bias_ref, mt_ref):
    bias = bias_ref[...]
    kk = lax.broadcasted_iota(jnp.int32, (NUM_BUCKETS, M_PAD), 0)
    oo = lax.broadcasted_iota(jnp.int32, (NUM_BUCKETS, M_PAD), 1)
    rel = oo - (QLEN - 1)
    onehot = (_bucket_from_rel(rel) == kk).astype(jnp.float32)
    mt_ref[...] = lax.dot_general(
        bias, onehot, (((0,), (0,)), ((), ())),
        preferred_element_type=jnp.float32,
        precision=lax.Precision.HIGHEST,
    )


def _tables_body(mt_lo_ref, mt_hi_ref, w128r_ref):
    win = jnp.concatenate([mt_lo_ref[...], mt_hi_ref[...]], axis=1)
    for k in range(N_SHIFT):
        off = (N_SHIFT - 1) - k
        w128r_ref[:, k, :] = lax.slice(win, (0, off), (N_HEADS, off + 128))


def _materialize_body(w128r_hbm, out_hbm, slab0, slab1, sem):
    c = lax.axis_index("c")
    s = lax.axis_index("s")
    slabs = (slab0, slab1)
    col0 = c * COL_HALF
    row0 = s * N_SHIFT
    q = (QLEN - N_SHIFT) - row0

    wdescs = {}
    for h in range(N_HEADS):
        buf = slabs[h % 2]
        if h >= 2:
            wdescs[h - 2].wait()
        plsc.subcore_barrier()

        @pl.when(s == 0)
        def _load():
            pltpu.sync_copy(
                w128r_hbm.at[h, :, pl.ds(col0, SLAB_W)], buf
            )

        plsc.subcore_barrier()
        wdescs[h] = pltpu.async_copy(
            buf.at[:, pl.ds(q, COL_HALF)],
            out_hbm.at[h, pl.ds(row0, N_SHIFT), pl.ds(col0, COL_HALF)],
            sem,
        )
    wdescs[N_HEADS - 2].wait()
    wdescs[N_HEADS - 1].wait()


def kernel(rel_bias, batch_size, qlen, klen):
    mt = pl.pallas_call(
        _mt_body,
        out_shape=jax.ShapeDtypeStruct((N_HEADS, M_PAD), jnp.float32),
    )(rel_bias)
    w128r = pl.pallas_call(
        _tables_body,
        grid=(W_PAD // 128,),
        in_specs=[
            pl.BlockSpec((N_HEADS, 128), lambda b: (0, b)),
            pl.BlockSpec((N_HEADS, 128), lambda b: (0, b + 1)),
        ],
        out_specs=pl.BlockSpec((N_HEADS, N_SHIFT, 128), lambda b: (0, 0, b)),
        out_shape=jax.ShapeDtypeStruct((N_HEADS, N_SHIFT, W_PAD), jnp.float32),
    )(mt, mt)

    mesh = plsc.VectorSubcoreMesh(core_axis_name="c", subcore_axis_name="s")
    out = pl.kernel(
        _materialize_body,
        out_type=jax.ShapeDtypeStruct((N_HEADS, QLEN, KLEN), jnp.float32),
        mesh=mesh,
        scratch_types=[
            pltpu.VMEM_SHARED((N_SHIFT, SLAB_W), jnp.float32),
            pltpu.VMEM_SHARED((N_SHIFT, SLAB_W), jnp.float32),
            pltpu.SemaphoreType.DMA,
        ],
    )(w128r)
    return out

# --- scband reference (transcript-rebuilt; emitter-appended) ---
"""Pipeline reference for scband-relative-position-bias-7413113553333 (READ-ONLY COPY).

The authoritative reference and input builder live on the scoring server;
editing this copy changes nothing except your own understanding.
"""

import jax, jax.numpy as jnp
import numpy as np
import math

NUM_BUCKETS = 32
MAX_DISTANCE = 128
N_HEADS = 12
BIDIRECTIONAL = True


def _relative_position_bucket(relative_position):
    num_buckets = NUM_BUCKETS
    ret = jnp.zeros_like(relative_position)
    n = -relative_position
    if BIDIRECTIONAL:
        num_buckets //= 2
        ret = ret + (n < 0).astype(relative_position.dtype) * num_buckets
        n = jnp.abs(n)
    else:
        n = jnp.maximum(n, 0)
    max_exact = num_buckets // 2
    is_small = n < max_exact
    safe_n = jnp.maximum(n, 1)  # avoid log(0); masked by is_small anyway
    val_if_large = max_exact + (
        jnp.log(safe_n.astype(jnp.float32) / max_exact)
        / math.log(MAX_DISTANCE / max_exact)
        * (num_buckets - max_exact)
    ).astype(relative_position.dtype)
    val_if_large = jnp.minimum(val_if_large, num_buckets - 1)
    ret = ret + jnp.where(is_small, n, val_if_large)
    return ret


def setup_inputs(seed: int = 0):
    key = jax.random.key(seed)
    rel_bias = jax.random.normal(key, (NUM_BUCKETS, N_HEADS), dtype=jnp.float32)
    return {"rel_bias": rel_bias, "batch_size": 1, "qlen": 2048, "klen": 2048}


def reference(rel_bias, batch_size, qlen, klen):
    step = 0
    qlen_static = 2048
    klen_static = 2048
    batch_static = 1
    dep = (
        (jnp.asarray(qlen, dtype=jnp.int32) - qlen_static)
        + (jnp.asarray(klen, dtype=jnp.int32) - klen_static)
        + (jnp.asarray(batch_size, dtype=jnp.int32) - batch_static)
    )
    context_position = (
        jnp.arange(step, step + qlen_static, dtype=jnp.int32) + dep
    )[:, None]
    memory_position = (jnp.arange(klen_static, dtype=jnp.int32) + dep)[None, :]
    relative_position = memory_position - context_position  # [qlen, klen]
    rp_bucket = _relative_position_bucket(relative_position)  # [qlen, klen]
    values = jnp.take(rel_bias, rp_bucket, axis=0)  # [qlen, klen, n_heads]
    values = jnp.transpose(values, (2, 0, 1))[None]  # [1, n_heads, qlen, klen]
    values = jnp.tile(values, (batch_static, 1, 1, 1))
    return values.reshape(-1, qlen_static, klen_static)

if __name__ == "__main__":
    import jax
    _d = setup_inputs()
    print(jax.jit(kernel)(*tuple(_d.values())))

</pallas_src>

<mosaic_0001>
#map = affine_map<(d0, d1) -> (0, 0, 0)>
module attributes {stable_mosaic.version = 14 : i64} {
  func.func @_materialize_body(%arg0: i32, %arg1: i32, %arg2: memref<12x128x3968xf32, #tpu.memory_space<hbm>>, %arg3: memref<12x2048x2048xf32, #tpu.memory_space<hbm>>, %arg4: memref<128x2944xf32, #tpu.memory_space<vmem_shared>>, %arg5: memref<128x2944xf32, #tpu.memory_space<vmem_shared>>, %arg6: memref<!tpu.dma_semaphore, #tpu.memory_space<semaphore_mem>>) attributes {dimension_semantics = [#tpu.dimension_semantics<core_parallel>, #tpu.dimension_semantics<subcore_parallel>], iteration_bounds = array<i64: 2, 16>, scalar_prefetch = 0 : i64, scratch_operands = 3 : i64, tpu.core_type = #tpu.core_type<sc_vector_subcore>, window_params = [{transform_indices = #map}, {transform_indices = #map}]} {
    %mul3A = arith.constant 1024 : i32
    %mul3A_0 = arith.muli %arg0, %mul3A : i32
    %mul3A_1 = arith.constant 128 : i32
    %mul3A_2 = arith.muli %arg1, %mul3A_1 : i32
    %sub3A = arith.constant 1920 : i32
    %sub3A_3 = arith.subi %sub3A, %mul3A_2 : i32
    %barrier3A = arith.constant 0 : index
    tpu.barrier barrier_id(%barrier3A)
    %eq3A = arith.constant 0 : i32
    %eq3A_4 = arith.cmpi eq, %arg1, %eq3A : i32
    %convert_element_type3A = arith.extui %eq3A_4 : i1 to i32
    %cond3A = arith.constant 0 : i32
    %cond3A_5 = arith.cmpi ne, %convert_element_type3A, %cond3A : i32
    scf.if %cond3A_5 {
      %run_scoped3A = arith.constant 0 : i32
      "tpu.region"() ({
        %run_scoped3A_202 = tpu.sem_alloc : memref<!tpu.dma_semaphore, #tpu.memory_space<semaphore_mem>>
        %dma_start3A_203 = arith.constant 0 : i32
        %dma_start3A_204 = tpu.memref_slice %arg2[%run_scoped3A, %dma_start3A_203, %mul3A_0] : memref<12x128x3968xf32, #tpu.memory_space<hbm>> -> memref<1x128x2944xf32, #tpu.memory_space<hbm>>
        %dma_start3A_205 = tpu.memref_squeeze %dma_start3A_204 : memref<1x128x2944xf32, #tpu.memory_space<hbm>> -> memref<128x2944xf32, #tpu.memory_space<hbm>>
        tpu.enqueue_dma source(%dma_start3A_205 : memref<128x2944xf32, #tpu.memory_space<hbm>>) target(%arg4 : memref<128x2944xf32, #tpu.memory_space<vmem_shared>>) target_semaphore(%run_scoped3A_202 : memref<!tpu.dma_semaphore, #tpu.memory_space<semaphore_mem>>)
        %dma_wait3A_206 = arith.constant 0 : i32
        %dma_wait3A_207 = tpu.memref_slice %arg2[%run_scoped3A, %dma_wait3A_206, %mul3A_0] : memref<12x128x3968xf32, #tpu.memory_space<hbm>> -> memref<1x128x2944xf32, #tpu.memory_space<hbm>>
        %dma_wait3A_208 = tpu.memref_squeeze %dma_wait3A_207 : memref<1x128x2944xf32, #tpu.memory_space<hbm>> -> memref<128x2944xf32, #tpu.memory_space<hbm>>
        tpu.wait_dma2 semaphore(%run_scoped3A_202 : memref<!tpu.dma_semaphore, #tpu.memory_space<semaphore_mem>>) src(%dma_wait3A_208 : memref<128x2944xf32, #tpu.memory_space<hbm>>) dst(%arg4 : memref<128x2944xf32, #tpu.memory_space<vmem_shared>>)
        tpu.yield
      }) : () -> ()
    } else {
    }
    %barrier3A_6 = arith.constant 0 : index
    tpu.barrier barrier_id(%barrier3A_6)
    %dma_start3A = arith.constant 0 : i32
    %dma_start3A_7 = tpu.memref_slice %arg3[%dma_start3A, %mul3A_2, %mul3A_0] : memref<12x2048x2048xf32, #tpu.memory_space<hbm>> -> memref<1x128x1024xf32, #tpu.memory_space<hbm>>
    %dma_start3A_8 = tpu.memref_squeeze %dma_start3A_7 : memref<1x128x1024xf32, #tpu.memory_space<hbm>> -> memref<128x1024xf32, #tpu.memory_space<hbm>>
    %dma_start3A_9 = arith.constant 0 : i32
    %dma_start3A_10 = tpu.memref_slice %arg4[%dma_start3A_9, %sub3A_3] : memref<128x2944xf32, #tpu.memory_space<vmem_shared>> -> memref<128x1024xf32, #tpu.memory_space<vmem_shared>>
    tpu.enqueue_dma source(%dma_start3A_10 : memref<128x1024xf32, #tpu.memory_space<vmem_shared>>) target(%dma_start3A_8 : memref<128x1024xf32, #tpu.memory_space<hbm>>) target_semaphore(%arg6 : memref<!tpu.dma_semaphore, #tpu.memory_space<semaphore_mem>>)
    %barrier3A_11 = arith.constant 0 : index
    tpu.barrier barrier_id(%barrier3A_11)
    %eq3A_12 = arith.constant 0 : i32
    %eq3A_13 = arith.cmpi eq, %arg1, %eq3A_12 : i32
    %convert_element_type3A_14 = arith.extui %eq3A_13 : i1 to i32
    %cond3A_15 = arith.constant 0 : i32
    %cond3A_16 = arith.cmpi ne, %convert_element_type3A_14, %cond3A_15 : i32
    scf.if %cond3A_16 {
      %run_scoped3A = arith.constant 1 : i32
      "tpu.region"() ({
        %run_scoped3A_202 = tpu.sem_alloc : memref<!tpu.dma_semaphore, #tpu.memory_space<semaphore_mem>>
        %dma_start3A_203 = arith.constant 0 : i32
        %dma_start3A_204 = tpu.memref_slice %arg2[%run_scoped3A, %dma_start3A_203, %mul3A_0] : memref<12x128x3968xf32, #tpu.memory_space<hbm>> -> memref<1x128x2944xf32, #tpu.memory_space<hbm>>
        %dma_start3A_205 = tpu.memref_squeeze %dma_start3A_204 : memref<1x128x2944xf32, #tpu.memory_space<hbm>> -> memref<128x2944xf32, #tpu.memory_space<hbm>>
        tpu.enqueue_dma source(%dma_start3A_205 : memref<128x2944xf32, #tpu.memory_space<hbm>>) target(%arg5 : memref<128x2944xf32, #tpu.memory_space<vmem_shared>>) target_semaphore(%run_scoped3A_202 : memref<!tpu.dma_semaphore, #tpu.memory_space<semaphore_mem>>)
        %dma_wait3A_206 = arith.constant 0 : i32
        %dma_wait3A_207 = tpu.memref_slice %arg2[%run_scoped3A, %dma_wait3A_206, %mul3A_0] : memref<12x128x3968xf32, #tpu.memory_space<hbm>> -> memref<1x128x2944xf32, #tpu.memory_space<hbm>>
        %dma_wait3A_208 = tpu.memref_squeeze %dma_wait3A_207 : memref<1x128x2944xf32, #tpu.memory_space<hbm>> -> memref<128x2944xf32, #tpu.memory_space<hbm>>
        tpu.wait_dma2 semaphore(%run_scoped3A_202 : memref<!tpu.dma_semaphore, #tpu.memory_space<semaphore_mem>>) src(%dma_wait3A_208 : memref<128x2944xf32, #tpu.memory_space<hbm>>) dst(%arg5 : memref<128x2944xf32, #tpu.memory_space<vmem_shared>>)
        tpu.yield
      }) : () -> ()
    } else {
    }
    %barrier3A_17 = arith.constant 0 : index
    tpu.barrier barrier_id(%barrier3A_17)
    %dma_start3A_18 = arith.constant 1 : i32
    %dma_start3A_19 = tpu.memref_slice %arg3[%dma_start3A_18, %mul3A_2, %mul3A_0] : memref<12x2048x2048xf32, #tpu.memory_space<hbm>> -> memref<1x128x1024xf32, #tpu.memory_space<hbm>>
    %dma_start3A_20 = tpu.memref_squeeze %dma_start3A_19 : memref<1x128x1024xf32, #tpu.memory_space<hbm>> -> memref<128x1024xf32, #tpu.memory_space<hbm>>
    %dma_start3A_21 = arith.constant 0 : i32
    %dma_start3A_22 = tpu.memref_slice %arg5[%dma_start3A_21, %sub3A_3] : memref<128x2944xf32, #tpu.memory_space<vmem_shared>> -> memref<128x1024xf32, #tpu.memory_space<vmem_shared>>
    tpu.enqueue_dma source(%dma_start3A_22 : memref<128x1024xf32, #tpu.memory_space<vmem_shared>>) target(%dma_start3A_20 : memref<128x1024xf32, #tpu.memory_space<hbm>>) target_semaphore(%arg6 : memref<!tpu.dma_semaphore, #tpu.memory_space<semaphore_mem>>)
    %dma_wait3A = arith.constant 0 : i32
    %dma_wait3A_23 = tpu.memref_slice %arg3[%dma_wait3A, %mul3A_2, %mul3A_0] : memref<12x2048x2048xf32, #tpu.memory_space<hbm>> -> memref<1x128x1024xf32, #tpu.memory_space<hbm>>
    %dma_wait3A_24 = tpu.memref_squeeze %dma_wait3A_23 : memref<1x128x1024xf32, #tpu.memory_space<hbm>> -> memref<128x1024xf32, #tpu.memory_space<hbm>>
    %dma_wait3A_25 = arith.constant 0 : i32
    %dma_wait3A_26 = tpu.memref_slice %arg4[%dma_wait3A_25, %sub3A_3] : memref<128x2944xf32, #tpu.memory_space<vmem_shared>> -> memref<128x1024xf32, #tpu.memory_space<vmem_shared>>
    tpu.wait_dma2 semaphore(%arg6 : memref<!tpu.dma_semaphore, #tpu.memory_space<semaphore_mem>>) src(%dma_wait3A_26 : memref<128x1024xf32, #tpu.memory_space<vmem_shared>>) dst(%dma_wait3A_24 : memref<128x1024xf32, #tpu.memory_space<hbm>>)
    %barrier3A_27 = arith.constant 0 : index
    tpu.barrier barrier_id(%barrier3A_27)
    %eq3A_28 = arith.constant 0 : i32
    %eq3A_29 = arith.cmpi eq, %arg1, %eq3A_28 : i32
    %convert_element_type3A_30 = arith.extui %eq3A_29 : i1 to i32
    %cond3A_31 = arith.constant 0 : i32
    %cond3A_32 = arith.cmpi ne, %convert_element_type3A_30, %cond3A_31 : i32
    scf.if %cond3A_32 {
      %run_scoped3A = arith.constant 2 : i32
      "tpu.region"() ({
        %run_scoped3A_202 = tpu.sem_alloc : memref<!tpu.dma_semaphore, #tpu.memory_space<semaphore_mem>>
        %dma_start3A_203 = arith.constant 0 : i32
        %dma_start3A_204 = tpu.memref_slice %arg2[%run_scoped3A, %dma_start3A_203, %mul3A_0] : memref<12x128x3968xf32, #tpu.memory_space<hbm>> -> memref<1x128x2944xf32, #tpu.memory_space<hbm>>
        %dma_start3A_205 = tpu.memref_squeeze %dma_start3A_204 : memref<1x128x2944xf32, #tpu.memory_space<hbm>> -> memref<128x2944xf32, #tpu.memory_space<hbm>>
        tpu.enqueue_dma source(%dma_start3A_205 : memref<128x2944xf32, #tpu.memory_space<hbm>>) target(%arg4 : memref<128x2944xf32, #tpu.memory_space<vmem_shared>>) target_semaphore(%run_scoped3A_202 : memref<!tpu.dma_semaphore, #tpu.memory_space<semaphore_mem>>)
        %dma_wait3A_206 = arith.constant 0 : i32
        %dma_wait3A_207 = tpu.memref_slice %arg2[%run_scoped3A, %dma_wait3A_206, %mul3A_0] : memref<12x128x3968xf32, #tpu.memory_space<hbm>> -> memref<1x128x2944xf32, #tpu.memory_space<hbm>>
        %dma_wait3A_208 = tpu.memref_squeeze %dma_wait3A_207 : memref<1x128x2944xf32, #tpu.memory_space<hbm>> -> memref<128x2944xf32, #tpu.memory_space<hbm>>
        tpu.wait_dma2 semaphore(%run_scoped3A_202 : memref<!tpu.dma_semaphore, #tpu.memory_space<semaphore_mem>>) src(%dma_wait3A_208 : memref<128x2944xf32, #tpu.memory_space<hbm>>) dst(%arg4 : memref<128x2944xf32, #tpu.memory_space<vmem_shared>>)
        tpu.yield
      }) : () -> ()
    } else {
    }
    %barrier3A_33 = arith.constant 0 : index
    tpu.barrier barrier_id(%barrier3A_33)
    %dma_start3A_34 = arith.constant 2 : i32
    %dma_start3A_35 = tpu.memref_slice %arg3[%dma_start3A_34, %mul3A_2, %mul3A_0] : memref<12x2048x2048xf32, #tpu.memory_space<hbm>> -> memref<1x128x1024xf32, #tpu.memory_space<hbm>>
    %dma_start3A_36 = tpu.memref_squeeze %dma_start3A_35 : memref<1x128x1024xf32, #tpu.memory_space<hbm>> -> memref<128x1024xf32, #tpu.memory_space<hbm>>
    %dma_start3A_37 = arith.constant 0 : i32
    %dma_start3A_38 = tpu.memref_slice %arg4[%dma_start3A_37, %sub3A_3] : memref<128x2944xf32, #tpu.memory_space<vmem_shared>> -> memref<128x1024xf32, #tpu.memory_space<vmem_shared>>
    tpu.enqueue_dma source(%dma_start3A_38 : memref<128x1024xf32, #tpu.memory_space<vmem_shared>>) target(%dma_start3A_36 : memref<128x1024xf32, #tpu.memory_space<hbm>>) target_semaphore(%arg6 : memref<!tpu.dma_semaphore, #tpu.memory_space<semaphore_mem>>)
    %dma_wait3A_39 = arith.constant 1 : i32
    %dma_wait3A_40 = tpu.memref_slice %arg3[%dma_wait3A_39, %mul3A_2, %mul3A_0] : memref<12x2048x2048xf32, #tpu.memory_space<hbm>> -> memref<1x128x1024xf32, #tpu.memory_space<hbm>>
    %dma_wait3A_41 = tpu.memref_squeeze %dma_wait3A_40 : memref<1x128x1024xf32, #tpu.memory_space<hbm>> -> memref<128x1024xf32, #tpu.memory_space<hbm>>
    %dma_wait3A_42 = arith.constant 0 : i32
    %dma_wait3A_43 = tpu.memref_slice %arg5[%dma_wait3A_42, %sub3A_3] : memref<128x2944xf32, #tpu.memory_space<vmem_shared>> -> memref<128x1024xf32, #tpu.memory_space<vmem_shared>>
    tpu.wait_dma2 semaphore(%arg6 : memref<!tpu.dma_semaphore, #tpu.memory_space<semaphore_mem>>) src(%dma_wait3A_43 : memref<128x1024xf32, #tpu.memory_space<vmem_shared>>) dst(%dma_wait3A_41 : memref<128x1024xf32, #tpu.memory_space<hbm>>)
    %barrier3A_44 = arith.constant 0 : index
    tpu.barrier barrier_id(%barrier3A_44)
    %eq3A_45 = arith.constant 0 : i32
    %eq3A_46 = arith.cmpi eq, %arg1, %eq3A_45 : i32
    %convert_element_type3A_47 = arith.extui %eq3A_46 : i1 to i32
    %cond3A_48 = arith.constant 0 : i32
    %cond3A_49 = arith.cmpi ne, %convert_element_type3A_47, %cond3A_48 : i32
    scf.if %cond3A_49 {
      %run_scoped3A = arith.constant 3 : i32
      "tpu.region"() ({
        %run_scoped3A_202 = tpu.sem_alloc : memref<!tpu.dma_semaphore, #tpu.memory_space<semaphore_mem>>
        %dma_start3A_203 = arith.constant 0 : i32
        %dma_start3A_204 = tpu.memref_slice %arg2[%run_scoped3A, %dma_start3A_203, %mul3A_0] : memref<12x128x3968xf32, #tpu.memory_space<hbm>> -> memref<1x128x2944xf32, #tpu.memory_space<hbm>>
        %dma_start3A_205 = tpu.memref_squeeze %dma_start3A_204 : memref<1x128x2944xf32, #tpu.memory_space<hbm>> -> memref<128x2944xf32, #tpu.memory_space<hbm>>
        tpu.enqueue_dma source(%dma_start3A_205 : memref<128x2944xf32, #tpu.memory_space<hbm>>) target(%arg5 : memref<128x2944xf32, #tpu.memory_space<vmem_shared>>) target_semaphore(%run_scoped3A_202 : memref<!tpu.dma_semaphore, #tpu.memory_space<semaphore_mem>>)
        %dma_wait3A_206 = arith.constant 0 : i32
        %dma_wait3A_207 = tpu.memref_slice %arg2[%run_scoped3A, %dma_wait3A_206, %mul3A_0] : memref<12x128x3968xf32, #tpu.memory_space<hbm>> -> memref<1x128x2944xf32, #tpu.memory_space<hbm>>
        %dma_wait3A_208 = tpu.memref_squeeze %dma_wait3A_207 : memref<1x128x2944xf32, #tpu.memory_space<hbm>> -> memref<128x2944xf32, #tpu.memory_space<hbm>>
        tpu.wait_dma2 semaphore(%run_scoped3A_202 : memref<!tpu.dma_semaphore, #tpu.memory_space<semaphore_mem>>) src(%dma_wait3A_208 : memref<128x2944xf32, #tpu.memory_space<hbm>>) dst(%arg5 : memref<128x2944xf32, #tpu.memory_space<vmem_shared>>)
        tpu.yield
      }) : () -> ()
    } else {
    }
    %barrier3A_50 = arith.constant 0 : index
    tpu.barrier barrier_id(%barrier3A_50)
    %dma_start3A_51 = arith.constant 3 : i32
    %dma_start3A_52 = tpu.memref_slice %arg3[%dma_start3A_51, %mul3A_2, %mul3A_0] : memref<12x2048x2048xf32, #tpu.memory_space<hbm>> -> memref<1x128x1024xf32, #tpu.memory_space<hbm>>
    %dma_start3A_53 = tpu.memref_squeeze %dma_start3A_52 : memref<1x128x1024xf32, #tpu.memory_space<hbm>> -> memref<128x1024xf32, #tpu.memory_space<hbm>>
    %dma_start3A_54 = arith.constant 0 : i32
    %dma_start3A_55 = tpu.memref_slice %arg5[%dma_start3A_54, %sub3A_3] : memref<128x2944xf32, #tpu.memory_space<vmem_shared>> -> memref<128x1024xf32, #tpu.memory_space<vmem_shared>>
    tpu.enqueue_dma source(%dma_start3A_55 : memref<128x1024xf32, #tpu.memory_space<vmem_shared>>) target(%dma_start3A_53 : memref<128x1024xf32, #tpu.memory_space<hbm>>) target_semaphore(%arg6 : memref<!tpu.dma_semaphore, #tpu.memory_space<semaphore_mem>>)
    %dma_wait3A_56 = arith.constant 2 : i32
    %dma_wait3A_57 = tpu.memref_slice %arg3[%dma_wait3A_56, %mul3A_2, %mul3A_0] : memref<12x2048x2048xf32, #tpu.memory_space<hbm>> -> memref<1x128x1024xf32, #tpu.memory_space<hbm>>
    %dma_wait3A_58 = tpu.memref_squeeze %dma_wait3A_57 : memref<1x128x1024xf32, #tpu.memory_space<hbm>> -> memref<128x1024xf32, #tpu.memory_space<hbm>>
    %dma_wait3A_59 = arith.constant 0 : i32
    %dma_wait3A_60 = tpu.memref_slice %arg4[%dma_wait3A_59, %sub3A_3] : memref<128x2944xf32, #tpu.memory_space<vmem_shared>> -> memref<128x1024xf32, #tpu.memory_space<vmem_shared>>
    tpu.wait_dma2 semaphore(%arg6 : memref<!tpu.dma_semaphore, #tpu.memory_space<semaphore_mem>>) src(%dma_wait3A_60 : memref<128x1024xf32, #tpu.memory_space<vmem_shared>>) dst(%dma_wait3A_58 : memref<128x1024xf32, #tpu.memory_space<hbm>>)
    %barrier3A_61 = arith.constant 0 : index
    tpu.barrier barrier_id(%barrier3A_61)
    %eq3A_62 = arith.constant 0 : i32
    %eq3A_63 = arith.cmpi eq, %arg1, %eq3A_62 : i32
    %convert_element_type3A_64 = arith.extui %eq3A_63 : i1 to i32
    %cond3A_65 = arith.constant 0 : i32
    %cond3A_66 = arith.cmpi ne, %convert_element_type3A_64, %cond3A_65 : i32
    scf.if %cond3A_66 {
      %run_scoped3A = arith.constant 4 : i32
      "tpu.region"() ({
        %run_scoped3A_202 = tpu.sem_alloc : memref<!tpu.dma_semaphore, #tpu.memory_space<semaphore_mem>>
        %dma_start3A_203 = arith.constant 0 : i32
        %dma_start3A_204 = tpu.memref_slice %arg2[%run_scoped3A, %dma_start3A_203, %mul3A_0] : memref<12x128x3968xf32, #tpu.memory_space<hbm>> -> memref<1x128x2944xf32, #tpu.memory_space<hbm>>
        %dma_start3A_205 = tpu.memref_squeeze %dma_start3A_204 : memref<1x128x2944xf32, #tpu.memory_space<hbm>> -> memref<128x2944xf32, #tpu.memory_space<hbm>>
        tpu.enqueue_dma source(%dma_start3A_205 : memref<128x2944xf32, #tpu.memory_space<hbm>>) target(%arg4 : memref<128x2944xf32, #tpu.memory_space<vmem_shared>>) target_semaphore(%run_scoped3A_202 : memref<!tpu.dma_semaphore, #tpu.memory_space<semaphore_mem>>)
        %dma_wait3A_206 = arith.constant 0 : i32
        %dma_wait3A_207 = tpu.memref_slice %arg2[%run_scoped3A, %dma_wait3A_206, %mul3A_0] : memref<12x128x3968xf32, #tpu.memory_space<hbm>> -> memref<1x128x2944xf32, #tpu.memory_space<hbm>>
        %dma_wait3A_208 = tpu.memref_squeeze %dma_wait3A_207 : memref<1x128x2944xf32, #tpu.memory_space<hbm>> -> memref<128x2944xf32, #tpu.memory_space<hbm>>
        tpu.wait_dma2 semaphore(%run_scoped3A_202 : memref<!tpu.dma_semaphore, #tpu.memory_space<semaphore_mem>>) src(%dma_wait3A_208 : memref<128x2944xf32, #tpu.memory_space<hbm>>) dst(%arg4 : memref<128x2944xf32, #tpu.memory_space<vmem_shared>>)
        tpu.yield
      }) : () -> ()
    } else {
    }
    %barrier3A_67 = arith.constant 0 : index
    tpu.barrier barrier_id(%barrier3A_67)
    %dma_start3A_68 = arith.constant 4 : i32
    %dma_start3A_69 = tpu.memref_slice %arg3[%dma_start3A_68, %mul3A_2, %mul3A_0] : memref<12x2048x2048xf32, #tpu.memory_space<hbm>> -> memref<1x128x1024xf32, #tpu.memory_space<hbm>>
    %dma_start3A_70 = tpu.memref_squeeze %dma_start3A_69 : memref<1x128x1024xf32, #tpu.memory_space<hbm>> -> memref<128x1024xf32, #tpu.memory_space<hbm>>
    %dma_start3A_71 = arith.constant 0 : i32
    %dma_start3A_72 = tpu.memref_slice %arg4[%dma_start3A_71, %sub3A_3] : memref<128x2944xf32, #tpu.memory_space<vmem_shared>> -> memref<128x1024xf32, #tpu.memory_space<vmem_shared>>
    tpu.enqueue_dma source(%dma_start3A_72 : memref<128x1024xf32, #tpu.memory_space<vmem_shared>>) target(%dma_start3A_70 : memref<128x1024xf32, #tpu.memory_space<hbm>>) target_semaphore(%arg6 : memref<!tpu.dma_semaphore, #tpu.memory_space<semaphore_mem>>)
    %dma_wait3A_73 = arith.constant 3 : i32
    %dma_wait3A_74 = tpu.memref_slice %arg3[%dma_wait3A_73, %mul3A_2, %mul3A_0] : memref<12x2048x2048xf32, #tpu.memory_space<hbm>> -> memref<1x128x1024xf32, #tpu.memory_space<hbm>>
    %dma_wait3A_75 = tpu.memref_squeeze %dma_wait3A_74 : memref<1x128x1024xf32, #tpu.memory_space<hbm>> -> memref<128x1024xf32, #tpu.memory_space<hbm>>
    %dma_wait3A_76 = arith.constant 0 : i32
    %dma_wait3A_77 = tpu.memref_slice %arg5[%dma_wait3A_76, %sub3A_3] : memref<128x2944xf32, #tpu.memory_space<vmem_shared>> -> memref<128x1024xf32, #tpu.memory_space<vmem_shared>>
    tpu.wait_dma2 semaphore(%arg6 : memref<!tpu.dma_semaphore, #tpu.memory_space<semaphore_mem>>) src(%dma_wait3A_77 : memref<128x1024xf32, #tpu.memory_space<vmem_shared>>) dst(%dma_wait3A_75 : memref<128x1024xf32, #tpu.memory_space<hbm>>)
    %barrier3A_78 = arith.constant 0 : index
    tpu.barrier barrier_id(%barrier3A_78)
    %eq3A_79 = arith.constant 0 : i32
    %eq3A_80 = arith.cmpi eq, %arg1, %eq3A_79 : i32
    %convert_element_type3A_81 = arith.extui %eq3A_80 : i1 to i32
    %cond3A_82 = arith.constant 0 : i32
    %cond3A_83 = arith.cmpi ne, %convert_element_type3A_81, %cond3A_82 : i32
    scf.if %cond3A_83 {
      %run_scoped3A = arith.constant 5 : i32
      "tpu.region"() ({
        %run_scoped3A_202 = tpu.sem_alloc : memref<!tpu.dma_semaphore, #tpu.memory_space<semaphore_mem>>
        %dma_start3A_203 = arith.constant 0 : i32
        %dma_start3A_204 = tpu.memref_slice %arg2[%run_scoped3A, %dma_start3A_203, %mul3A_0] : memref<12x128x3968xf32, #tpu.memory_space<hbm>> -> memref<1x128x2944xf32, #tpu.memory_space<hbm>>
        %dma_start3A_205 = tpu.memref_squeeze %dma_start3A_204 : memref<1x128x2944xf32, #tpu.memory_space<hbm>> -> memref<128x2944xf32, #tpu.memory_space<hbm>>
        tpu.enqueue_dma source(%dma_start3A_205 : memref<128x2944xf32, #tpu.memory_space<hbm>>) target(%arg5 : memref<128x2944xf32, #tpu.memory_space<vmem_shared>>) target_semaphore(%run_scoped3A_202 : memref<!tpu.dma_semaphore, #tpu.memory_space<semaphore_mem>>)
        %dma_wait3A_206 = arith.constant 0 : i32
        %dma_wait3A_207 = tpu.memref_slice %arg2[%run_scoped3A, %dma_wait3A_206, %mul3A_0] : memref<12x128x3968xf32, #tpu.memory_space<hbm>> -> memref<1x128x2944xf32, #tpu.memory_space<hbm>>
        %dma_wait3A_208 = tpu.memref_squeeze %dma_wait3A_207 : memref<1x128x2944xf32, #tpu.memory_space<hbm>> -> memref<128x2944xf32, #tpu.memory_space<hbm>>
        tpu.wait_dma2 semaphore(%run_scoped3A_202 : memref<!tpu.dma_semaphore, #tpu.memory_space<semaphore_mem>>) src(%dma_wait3A_208 : memref<128x2944xf32, #tpu.memory_space<hbm>>) dst(%arg5 : memref<128x2944xf32, #tpu.memory_space<vmem_shared>>)
        tpu.yield
      }) : () -> ()
    } else {
    }
    %barrier3A_84 = arith.constant 0 : index
    tpu.barrier barrier_id(%barrier3A_84)
    %dma_start3A_85 = arith.constant 5 : i32
    %dma_start3A_86 = tpu.memref_slice %arg3[%dma_start3A_85, %mul3A_2, %mul3A_0] : memref<12x2048x2048xf32, #tpu.memory_space<hbm>> -> memref<1x128x1024xf32, #tpu.memory_space<hbm>>
    %dma_start3A_87 = tpu.memref_squeeze %dma_start3A_86 : memref<1x128x1024xf32, #tpu.memory_space<hbm>> -> memref<128x1024xf32, #tpu.memory_space<hbm>>
    %dma_start3A_88 = arith.constant 0 : i32
    %dma_start3A_89 = tpu.memref_slice %arg5[%dma_start3A_88, %sub3A_3] : memref<128x2944xf32, #tpu.memory_space<vmem_shared>> -> memref<128x1024xf32, #tpu.memory_space<vmem_shared>>
    tpu.enqueue_dma source(%dma_start3A_89 : memref<128x1024xf32, #tpu.memory_space<vmem_shared>>) target(%dma_start3A_87 : memref<128x1024xf32, #tpu.memory_space<hbm>>) target_semaphore(%arg6 : memref<!tpu.dma_semaphore, #tpu.memory_space<semaphore_mem>>)
    %dma_wait3A_90 = arith.constant 4 : i32
    %dma_wait3A_91 = tpu.memref_slice %arg3[%dma_wait3A_90, %mul3A_2, %mul3A_0] : memref<12x2048x2048xf32, #tpu.memory_space<hbm>> -> memref<1x128x1024xf32, #tpu.memory_space<hbm>>
    %dma_wait3A_92 = tpu.memref_squeeze %dma_wait3A_91 : memref<1x128x1024xf32, #tpu.memory_space<hbm>> -> memref<128x1024xf32, #tpu.memory_space<hbm>>
    %dma_wait3A_93 = arith.constant 0 : i32
    %dma_wait3A_94 = tpu.memref_slice %arg4[%dma_wait3A_93, %sub3A_3] : memref<128x2944xf32, #tpu.memory_space<vmem_shared>> -> memref<128x1024xf32, #tpu.memory_space<vmem_shared>>
    tpu.wait_dma2 semaphore(%arg6 : memref<!tpu.dma_semaphore, #tpu.memory_space<semaphore_mem>>) src(%dma_wait3A_94 : memref<128x1024xf32, #tpu.memory_space<vmem_shared>>) dst(%dma_wait3A_92 : memref<128x1024xf32, #tpu.memory_space<hbm>>)
    %barrier3A_95 = arith.constant 0 : index
    tpu.barrier barrier_id(%barrier3A_95)
    %eq3A_96 = arith.constant 0 : i32
    %eq3A_97 = arith.cmpi eq, %arg1, %eq3A_96 : i32
    %convert_element_type3A_98 = arith.extui %eq3A_97 : i1 to i32
    %cond3A_99 = arith.constant 0 : i32
    %cond3A_100 = arith.cmpi ne, %convert_element_type3A_98, %cond3A_99 : i32
    scf.if %cond3A_100 {
      %run_scoped3A = arith.constant 6 : i32
      "tpu.region"() ({
        %run_scoped3A_202 = tpu.sem_alloc : memref<!tpu.dma_semaphore, #tpu.memory_space<semaphore_mem>>
        %dma_start3A_203 = arith.constant 0 : i32
        %dma_start3A_204 = tpu.memref_slice %arg2[%run_scoped3A, %dma_start3A_203, %mul3A_0] : memref<12x128x3968xf32, #tpu.memory_space<hbm>> -> memref<1x128x2944xf32, #tpu.memory_space<hbm>>
        %dma_start3A_205 = tpu.memref_squeeze %dma_start3A_204 : memref<1x128x2944xf32, #tpu.memory_space<hbm>> -> memref<128x2944xf32, #tpu.memory_space<hbm>>
        tpu.enqueue_dma source(%dma_start3A_205 : memref<128x2944xf32, #tpu.memory_space<hbm>>) target(%arg4 : memref<128x2944xf32, #tpu.memory_space<vmem_shared>>) target_semaphore(%run_scoped3A_202 : memref<!tpu.dma_semaphore, #tpu.memory_space<semaphore_mem>>)
        %dma_wait3A_206 = arith.constant 0 : i32
        %dma_wait3A_207 = tpu.memref_slice %arg2[%run_scoped3A, %dma_wait3A_206, %mul3A_0] : memref<12x128x3968xf32, #tpu.memory_space<hbm>> -> memref<1x128x2944xf32, #tpu.memory_space<hbm>>
        %dma_wait3A_208 = tpu.memref_squeeze %dma_wait3A_207 : memref<1x128x2944xf32, #tpu.memory_space<hbm>> -> memref<128x2944xf32, #tpu.memory_space<hbm>>
        tpu.wait_dma2 semaphore(%run_scoped3A_202 : memref<!tpu.dma_semaphore, #tpu.memory_space<semaphore_mem>>) src(%dma_wait3A_208 : memref<128x2944xf32, #tpu.memory_space<hbm>>) dst(%arg4 : memref<128x2944xf32, #tpu.memory_space<vmem_shared>>)
        tpu.yield
      }) : () -> ()
    } else {
    }
    %barrier3A_101 = arith.constant 0 : index
    tpu.barrier barrier_id(%barrier3A_101)
    %dma_start3A_102 = arith.constant 6 : i32
    %dma_start3A_103 = tpu.memref_slice %arg3[%dma_start3A_102, %mul3A_2, %mul3A_0] : memref<12x2048x2048xf32, #tpu.memory_space<hbm>> -> memref<1x128x1024xf32, #tpu.memory_space<hbm>>
    %dma_start3A_104 = tpu.memref_squeeze %dma_start3A_103 : memref<1x128x1024xf32, #tpu.memory_space<hbm>> -> memref<128x1024xf32, #tpu.memory_space<hbm>>
    %dma_start3A_105 = arith.constant 0 : i32
    %dma_start3A_106 = tpu.memref_slice %arg4[%dma_start3A_105, %sub3A_3] : memref<128x2944xf32, #tpu.memory_space<vmem_shared>> -> memref<128x1024xf32, #tpu.memory_space<vmem_shared>>
    tpu.enqueue_dma source(%dma_start3A_106 : memref<128x1024xf32, #tpu.memory_space<vmem_shared>>) target(%dma_start3A_104 : memref<128x1024xf32, #tpu.memory_space<hbm>>) target_semaphore(%arg6 : memref<!tpu.dma_semaphore, #tpu.memory_space<semaphore_mem>>)
    %dma_wait3A_107 = arith.constant 5 : i32
    %dma_wait3A_108 = tpu.memref_slice %arg3[%dma_wait3A_107, %mul3A_2, %mul3A_0] : memref<12x2048x2048xf32, #tpu.memory_space<hbm>> -> memref<1x128x1024xf32, #tpu.memory_space<hbm>>
    %dma_wait3A_109 = tpu.memref_squeeze %dma_wait3A_108 : memref<1x128x1024xf32, #tpu.memory_space<hbm>> -> memref<128x1024xf32, #tpu.memory_space<hbm>>
    %dma_wait3A_110 = arith.constant 0 : i32
    %dma_wait3A_111 = tpu.memref_slice %arg5[%dma_wait3A_110, %sub3A_3] : memref<128x2944xf32, #tpu.memory_space<vmem_shared>> -> memref<128x1024xf32, #tpu.memory_space<vmem_shared>>
    tpu.wait_dma2 semaphore(%arg6 : memref<!tpu.dma_semaphore, #tpu.memory_space<semaphore_mem>>) src(%dma_wait3A_111 : memref<128x1024xf32, #tpu.memory_space<vmem_shared>>) dst(%dma_wait3A_109 : memref<128x1024xf32, #tpu.memory_space<hbm>>)
    %barrier3A_112 = arith.constant 0 : index
    tpu.barrier barrier_id(%barrier3A_112)
    %eq3A_113 = arith.constant 0 : i32
    %eq3A_114 = arith.cmpi eq, %arg1, %eq3A_113 : i32
    %convert_element_type3A_115 = arith.extui %eq3A_114 : i1 to i32
    %cond3A_116 = arith.constant 0 : i32
    %cond3A_117 = arith.cmpi ne, %convert_element_type3A_115, %cond3A_116 : i32
    scf.if %cond3A_117 {
      %run_scoped3A = arith.constant 7 : i32
      "tpu.region"() ({
        %run_scoped3A_202 = tpu.sem_alloc : memref<!tpu.dma_semaphore, #tpu.memory_space<semaphore_mem>>
        %dma_start3A_203 = arith.constant 0 : i32
        %dma_start3A_204 = tpu.memref_slice %arg2[%run_scoped3A, %dma_start3A_203, %mul3A_0] : memref<12x128x3968xf32, #tpu.memory_space<hbm>> -> memref<1x128x2944xf32, #tpu.memory_space<hbm>>
        %dma_start3A_205 = tpu.memref_squeeze %dma_start3A_204 : memref<1x128x2944xf32, #tpu.memory_space<hbm>> -> memref<128x2944xf32, #tpu.memory_space<hbm>>
        tpu.enqueue_dma source(%dma_start3A_205 : memref<128x2944xf32, #tpu.memory_space<hbm>>) target(%arg5 : memref<128x2944xf32, #tpu.memory_space<vmem_shared>>) target_semaphore(%run_scoped3A_202 : memref<!tpu.dma_semaphore, #tpu.memory_space<semaphore_mem>>)
        %dma_wait3A_206 = arith.constant 0 : i32
        %dma_wait3A_207 = tpu.memref_slice %arg2[%run_scoped3A, %dma_wait3A_206, %mul3A_0] : memref<12x128x3968xf32, #tpu.memory_space<hbm>> -> memref<1x128x2944xf32, #tpu.memory_space<hbm>>
        %dma_wait3A_208 = tpu.memref_squeeze %dma_wait3A_207 : memref<1x128x2944xf32, #tpu.memory_space<hbm>> -> memref<128x2944xf32, #tpu.memory_space<hbm>>
        tpu.wait_dma2 semaphore(%run_scoped3A_202 : memref<!tpu.dma_semaphore, #tpu.memory_space<semaphore_mem>>) src(%dma_wait3A_208 : memref<128x2944xf32, #tpu.memory_space<hbm>>) dst(%arg5 : memref<128x2944xf32, #tpu.memory_space<vmem_shared>>)
        tpu.yield
      }) : () -> ()
    } else {
    }
    %barrier3A_118 = arith.constant 0 : index
    tpu.barrier barrier_id(%barrier3A_118)
    %dma_start3A_119 = arith.constant 7 : i32
    %dma_start3A_120 = tpu.memref_slice %arg3[%dma_start3A_119, %mul3A_2, %mul3A_0] : memref<12x2048x2048xf32, #tpu.memory_space<hbm>> -> memref<1x128x1024xf32, #tpu.memory_space<hbm>>
    %dma_start3A_121 = tpu.memref_squeeze %dma_start3A_120 : memref<1x128x1024xf32, #tpu.memory_space<hbm>> -> memref<128x1024xf32, #tpu.memory_space<hbm>>
    %dma_start3A_122 = arith.constant 0 : i32
    %dma_start3A_123 = tpu.memref_slice %arg5[%dma_start3A_122, %sub3A_3] : memref<128x2944xf32, #tpu.memory_space<vmem_shared>> -> memref<128x1024xf32, #tpu.memory_space<vmem_shared>>
    tpu.enqueue_dma source(%dma_start3A_123 : memref<128x1024xf32, #tpu.memory_space<vmem_shared>>) target(%dma_start3A_121 : memref<128x1024xf32, #tpu.memory_space<hbm>>) target_semaphore(%arg6 : memref<!tpu.dma_semaphore, #tpu.memory_space<semaphore_mem>>)
    %dma_wait3A_124 = arith.constant 6 : i32
    %dma_wait3A_125 = tpu.memref_slice %arg3[%dma_wait3A_124, %mul3A_2, %mul3A_0] : memref<12x2048x2048xf32, #tpu.memory_space<hbm>> -> memref<1x128x1024xf32, #tpu.memory_space<hbm>>
    %dma_wait3A_126 = tpu.memref_squeeze %dma_wait3A_125 : memref<1x128x1024xf32, #tpu.memory_space<hbm>> -> memref<128x1024xf32, #tpu.memory_space<hbm>>
    %dma_wait3A_127 = arith.constant 0 : i32
    %dma_wait3A_128 = tpu.memref_slice %arg4[%dma_wait3A_127, %sub3A_3] : memref<128x2944xf32, #tpu.memory_space<vmem_shared>> -> memref<128x1024xf32, #tpu.memory_space<vmem_shared>>
    tpu.wait_dma2 semaphore(%arg6 : memref<!tpu.dma_semaphore, #tpu.memory_space<semaphore_mem>>) src(%dma_wait3A_128 : memref<128x1024xf32, #tpu.memory_space<vmem_shared>>) dst(%dma_wait3A_126 : memref<128x1024xf32, #tpu.memory_space<hbm>>)
    %barrier3A_129 = arith.constant 0 : index
    tpu.barrier barrier_id(%barrier3A_129)
    %eq3A_130 = arith.constant 0 : i32
    %eq3A_131 = arith.cmpi eq, %arg1, %eq3A_130 : i32
    %convert_element_type3A_132 = arith.extui %eq3A_131 : i1 to i32
    %cond3A_133 = arith.constant 0 : i32
    %cond3A_134 = arith.cmpi ne, %convert_element_type3A_132, %cond3A_133 : i32
    scf.if %cond3A_134 {
      %run_scoped3A = arith.constant 8 : i32
      "tpu.region"() ({
        %run_scoped3A_202 = tpu.sem_alloc : memref<!tpu.dma_semaphore, #tpu.memory_space<semaphore_mem>>
        %dma_start3A_203 = arith.constant 0 : i32
        %dma_start3A_204 = tpu.memref_slice %arg2[%run_scoped3A, %dma_start3A_203, %mul3A_0] : memref<12x128x3968xf32, #tpu.memory_space<hbm>> -> memref<1x128x2944xf32, #tpu.memory_space<hbm>>
        %dma_start3A_205 = tpu.memref_squeeze %dma_start3A_204 : memref<1x128x2944xf32, #tpu.memory_space<hbm>> -> memref<128x2944xf32, #tpu.memory_space<hbm>>
        tpu.enqueue_dma source(%dma_start3A_205 : memref<128x2944xf32, #tpu.memory_space<hbm>>) target(%arg4 : memref<128x2944xf32, #tpu.memory_space<vmem_shared>>) target_semaphore(%run_scoped3A_202 : memref<!tpu.dma_semaphore, #tpu.memory_space<semaphore_mem>>)
        %dma_wait3A_206 = arith.constant 0 : i32
        %dma_wait3A_207 = tpu.memref_slice %arg2[%run_scoped3A, %dma_wait3A_206, %mul3A_0] : memref<12x128x3968xf32, #tpu.memory_space<hbm>> -> memref<1x128x2944xf32, #tpu.memory_space<hbm>>
        %dma_wait3A_208 = tpu.memref_squeeze %dma_wait3A_207 : memref<1x128x2944xf32, #tpu.memory_space<hbm>> -> memref<128x2944xf32, #tpu.memory_space<hbm>>
        tpu.wait_dma2 semaphore(%run_scoped3A_202 : memref<!tpu.dma_semaphore, #tpu.memory_space<semaphore_mem>>) src(%dma_wait3A_208 : memref<128x2944xf32, #tpu.memory_space<hbm>>) dst(%arg4 : memref<128x2944xf32, #tpu.memory_space<vmem_shared>>)
        tpu.yield
      }) : () -> ()
    } else {
    }
    %barrier3A_135 = arith.constant 0 : index
    tpu.barrier barrier_id(%barrier3A_135)
    %dma_start3A_136 = arith.constant 8 : i32
    %dma_start3A_137 = tpu.memref_slice %arg3[%dma_start3A_136, %mul3A_2, %mul3A_0] : memref<12x2048x2048xf32, #tpu.memory_space<hbm>> -> memref<1x128x1024xf32, #tpu.memory_space<hbm>>
    %dma_start3A_138 = tpu.memref_squeeze %dma_start3A_137 : memref<1x128x1024xf32, #tpu.memory_space<hbm>> -> memref<128x1024xf32, #tpu.memory_space<hbm>>
    %dma_start3A_139 = arith.constant 0 : i32
    %dma_start3A_140 = tpu.memref_slice %arg4[%dma_start3A_139, %sub3A_3] : memref<128x2944xf32, #tpu.memory_space<vmem_shared>> -> memref<128x1024xf32, #tpu.memory_space<vmem_shared>>
    tpu.enqueue_dma source(%dma_start3A_140 : memref<128x1024xf32, #tpu.memory_space<vmem_shared>>) target(%dma_start3A_138 : memref<128x1024xf32, #tpu.memory_space<hbm>>) target_semaphore(%arg6 : memref<!tpu.dma_semaphore, #tpu.memory_space<semaphore_mem>>)
    %dma_wait3A_141 = arith.constant 7 : i32
    %dma_wait3A_142 = tpu.memref_slice %arg3[%dma_wait3A_141, %mul3A_2, %mul3A_0] : memref<12x2048x2048xf32, #tpu.memory_space<hbm>> -> memref<1x128x1024xf32, #tpu.memory_space<hbm>>
    %dma_wait3A_143 = tpu.memref_squeeze %dma_wait3A_142 : memref<1x128x1024xf32, #tpu.memory_space<hbm>> -> memref<128x1024xf32, #tpu.memory_space<hbm>>
    %dma_wait3A_144 = arith.constant 0 : i32
    %dma_wait3A_145 = tpu.memref_slice %arg5[%dma_wait3A_144, %sub3A_3] : memref<128x2944xf32, #tpu.memory_space<vmem_shared>> -> memref<128x1024xf32, #tpu.memory_space<vmem_shared>>
    tpu.wait_dma2 semaphore(%arg6 : memref<!tpu.dma_semaphore, #tpu.memory_space<semaphore_mem>>) src(%dma_wait3A_145 : memref<128x1024xf32, #tpu.memory_space<vmem_shared>>) dst(%dma_wait3A_143 : memref<128x1024xf32, #tpu.memory_space<hbm>>)
    %barrier3A_146 = arith.constant 0 : index
    tpu.barrier barrier_id(%barrier3A_146)
    %eq3A_147 = arith.constant 0 : i32
    %eq3A_148 = arith.cmpi eq, %arg1, %eq3A_147 : i32
    %convert_element_type3A_149 = arith.extui %eq3A_148 : i1 to i32
    %cond3A_150 = arith.constant 0 : i32
    %cond3A_151 = arith.cmpi ne, %convert_element_type3A_149, %cond3A_150 : i32
    scf.if %cond3A_151 {
      %run_scoped3A = arith.constant 9 : i32
      "tpu.region"() ({
        %run_scoped3A_202 = tpu.sem_alloc : memref<!tpu.dma_semaphore, #tpu.memory_space<semaphore_mem>>
        %dma_start3A_203 = arith.constant 0 : i32
        %dma_start3A_204 = tpu.memref_slice %arg2[%run_scoped3A, %dma_start3A_203, %mul3A_0] : memref<12x128x3968xf32, #tpu.memory_space<hbm>> -> memref<1x128x2944xf32, #tpu.memory_space<hbm>>
        %dma_start3A_205 = tpu.memref_squeeze %dma_start3A_204 : memref<1x128x2944xf32, #tpu.memory_space<hbm>> -> memref<128x2944xf32, #tpu.memory_space<hbm>>
        tpu.enqueue_dma source(%dma_start3A_205 : memref<128x2944xf32, #tpu.memory_space<hbm>>) target(%arg5 : memref<128x2944xf32, #tpu.memory_space<vmem_shared>>) target_semaphore(%run_scoped3A_202 : memref<!tpu.dma_semaphore, #tpu.memory_space<semaphore_mem>>)
        %dma_wait3A_206 = arith.constant 0 : i32
        %dma_wait3A_207 = tpu.memref_slice %arg2[%run_scoped3A, %dma_wait3A_206, %mul3A_0] : memref<12x128x3968xf32, #tpu.memory_space<hbm>> -> memref<1x128x2944xf32, #tpu.memory_space<hbm>>
        %dma_wait3A_208 = tpu.memref_squeeze %dma_wait3A_207 : memref<1x128x2944xf32, #tpu.memory_space<hbm>> -> memref<128x2944xf32, #tpu.memory_space<hbm>>
        tpu.wait_dma2 semaphore(%run_scoped3A_202 : memref<!tpu.dma_semaphore, #tpu.memory_space<semaphore_mem>>) src(%dma_wait3A_208 : memref<128x2944xf32, #tpu.memory_space<hbm>>) dst(%arg5 : memref<128x2944xf32, #tpu.memory_space<vmem_shared>>)
        tpu.yield
      }) : () -> ()
    } else {
    }
    %barrier3A_152 = arith.constant 0 : index
    tpu.barrier barrier_id(%barrier3A_152)
    %dma_start3A_153 = arith.constant 9 : i32
    %dma_start3A_154 = tpu.memref_slice %arg3[%dma_start3A_153, %mul3A_2, %mul3A_0] : memref<12x2048x2048xf32, #tpu.memory_space<hbm>> -> memref<1x128x1024xf32, #tpu.memory_space<hbm>>
    %dma_start3A_155 = tpu.memref_squeeze %dma_start3A_154 : memref<1x128x1024xf32, #tpu.memory_space<hbm>> -> memref<128x1024xf32, #tpu.memory_space<hbm>>
    %dma_start3A_156 = arith.constant 0 : i32
    %dma_start3A_157 = tpu.memref_slice %arg5[%dma_start3A_156, %sub3A_3] : memref<128x2944xf32, #tpu.memory_space<vmem_shared>> -> memref<128x1024xf32, #tpu.memory_space<vmem_shared>>
    tpu.enqueue_dma source(%dma_start3A_157 : memref<128x1024xf32, #tpu.memory_space<vmem_shared>>) target(%dma_start3A_155 : memref<128x1024xf32, #tpu.memory_space<hbm>>) target_semaphore(%arg6 : memref<!tpu.dma_semaphore, #tpu.memory_space<semaphore_mem>>)
    %dma_wait3A_158 = arith.constant 8 : i32
    %dma_wait3A_159 = tpu.memref_slice %arg3[%dma_wait3A_158, %mul3A_2, %mul3A_0] : memref<12x2048x2048xf32, #tpu.memory_space<hbm>> -> memref<1x128x1024xf32, #tpu.memory_space<hbm>>
    %dma_wait3A_160 = tpu.memref_squeeze %dma_wait3A_159 : memref<1x128x1024xf32, #tpu.memory_space<hbm>> -> memref<128x1024xf32, #tpu.memory_space<hbm>>
    %dma_wait3A_161 = arith.constant 0 : i32
    %dma_wait3A_162 = tpu.memref_slice %arg4[%dma_wait3A_161, %sub3A_3] : memref<128x2944xf32, #tpu.memory_space<vmem_shared>> -> memref<128x1024xf32, #tpu.memory_space<vmem_shared>>
    tpu.wait_dma2 semaphore(%arg6 : memref<!tpu.dma_semaphore, #tpu.memory_space<semaphore_mem>>) src(%dma_wait3A_162 : memref<128x1024xf32, #tpu.memory_space<vmem_shared>>) dst(%dma_wait3A_160 : memref<128x1024xf32, #tpu.memory_space<hbm>>)
    %barrier3A_163 = arith.constant 0 : index
    tpu.barrier barrier_id(%barrier3A_163)
    %eq3A_164 = arith.constant 0 : i32
    %eq3A_165 = arith.cmpi eq, %arg1, %eq3A_164 : i32
    %convert_element_type3A_166 = arith.extui %eq3A_165 : i1 to i32
    %cond3A_167 = arith.constant 0 : i32
    %cond3A_168 = arith.cmpi ne, %convert_element_type3A_166, %cond3A_167 : i32
    scf.if %cond3A_168 {
      %run_scoped3A = arith.constant 10 : i32
      "tpu.region"() ({
        %run_scoped3A_202 = tpu.sem_alloc : memref<!tpu.dma_semaphore, #tpu.memory_space<semaphore_mem>>
        %dma_start3A_203 = arith.constant 0 : i32
        %dma_start3A_204 = tpu.memref_slice %arg2[%run_scoped3A, %dma_start3A_203, %mul3A_0] : memref<12x128x3968xf32, #tpu.memory_space<hbm>> -> memref<1x128x2944xf32, #tpu.memory_space<hbm>>
        %dma_start3A_205 = tpu.memref_squeeze %dma_start3A_204 : memref<1x128x2944xf32, #tpu.memory_space<hbm>> -> memref<128x2944xf32, #tpu.memory_space<hbm>>
        tpu.enqueue_dma source(%dma_start3A_205 : memref<128x2944xf32, #tpu.memory_space<hbm>>) target(%arg4 : memref<128x2944xf32, #tpu.memory_space<vmem_shared>>) target_semaphore(%run_scoped3A_202 : memref<!tpu.dma_semaphore, #tpu.memory_space<semaphore_mem>>)
        %dma_wait3A_206 = arith.constant 0 : i32
        %dma_wait3A_207 = tpu.memref_slice %arg2[%run_scoped3A, %dma_wait3A_206, %mul3A_0] : memref<12x128x3968xf32, #tpu.memory_space<hbm>> -> memref<1x128x2944xf32, #tpu.memory_space<hbm>>
        %dma_wait3A_208 = tpu.memref_squeeze %dma_wait3A_207 : memref<1x128x2944xf32, #tpu.memory_space<hbm>> -> memref<128x2944xf32, #tpu.memory_space<hbm>>
        tpu.wait_dma2 semaphore(%run_scoped3A_202 : memref<!tpu.dma_semaphore, #tpu.memory_space<semaphore_mem>>) src(%dma_wait3A_208 : memref<128x2944xf32, #tpu.memory_space<hbm>>) dst(%arg4 : memref<128x2944xf32, #tpu.memory_space<vmem_shared>>)
        tpu.yield
      }) : () -> ()
    } else {
    }
    %barrier3A_169 = arith.constant 0 : index
    tpu.barrier barrier_id(%barrier3A_169)
    %dma_start3A_170 = arith.constant 10 : i32
    %dma_start3A_171 = tpu.memref_slice %arg3[%dma_start3A_170, %mul3A_2, %mul3A_0] : memref<12x2048x2048xf32, #tpu.memory_space<hbm>> -> memref<1x128x1024xf32, #tpu.memory_space<hbm>>
    %dma_start3A_172 = tpu.memref_squeeze %dma_start3A_171 : memref<1x128x1024xf32, #tpu.memory_space<hbm>> -> memref<128x1024xf32, #tpu.memory_space<hbm>>
    %dma_start3A_173 = arith.constant 0 : i32
    %dma_start3A_174 = tpu.memref_slice %arg4[%dma_start3A_173, %sub3A_3] : memref<128x2944xf32, #tpu.memory_space<vmem_shared>> -> memref<128x1024xf32, #tpu.memory_space<vmem_shared>>
    tpu.enqueue_dma source(%dma_start3A_174 : memref<128x1024xf32, #tpu.memory_space<vmem_shared>>) target(%dma_start3A_172 : memref<128x1024xf32, #tpu.memory_space<hbm>>) target_semaphore(%arg6 : memref<!tpu.dma_semaphore, #tpu.memory_space<semaphore_mem>>)
    %dma_wait3A_175 = arith.constant 9 : i32
    %dma_wait3A_176 = tpu.memref_slice %arg3[%dma_wait3A_175, %mul3A_2, %mul3A_0] : memref<12x2048x2048xf32, #tpu.memory_space<hbm>> -> memref<1x128x1024xf32, #tpu.memory_space<hbm>>
    %dma_wait3A_177 = tpu.memref_squeeze %dma_wait3A_176 : memref<1x128x1024xf32, #tpu.memory_space<hbm>> -> memref<128x1024xf32, #tpu.memory_space<hbm>>
    %dma_wait3A_178 = arith.constant 0 : i32
    %dma_wait3A_179 = tpu.memref_slice %arg5[%dma_wait3A_178, %sub3A_3] : memref<128x2944xf32, #tpu.memory_space<vmem_shared>> -> memref<128x1024xf32, #tpu.memory_space<vmem_shared>>
    tpu.wait_dma2 semaphore(%arg6 : memref<!tpu.dma_semaphore, #tpu.memory_space<semaphore_mem>>) src(%dma_wait3A_179 : memref<128x1024xf32, #tpu.memory_space<vmem_shared>>) dst(%dma_wait3A_177 : memref<128x1024xf32, #tpu.memory_space<hbm>>)
    %barrier3A_180 = arith.constant 0 : index
    tpu.barrier barrier_id(%barrier3A_180)
    %eq3A_181 = arith.constant 0 : i32
    %eq3A_182 = arith.cmpi eq, %arg1, %eq3A_181 : i32
    %convert_element_type3A_183 = arith.extui %eq3A_182 : i1 to i32
    %cond3A_184 = arith.constant 0 : i32
    %cond3A_185 = arith.cmpi ne, %convert_element_type3A_183, %cond3A_184 : i32
    scf.if %cond3A_185 {
      %run_scoped3A = arith.constant 11 : i32
      "tpu.region"() ({
        %run_scoped3A_202 = tpu.sem_alloc : memref<!tpu.dma_semaphore, #tpu.memory_space<semaphore_mem>>
        %dma_start3A_203 = arith.constant 0 : i32
        %dma_start3A_204 = tpu.memref_slice %arg2[%run_scoped3A, %dma_start3A_203, %mul3A_0] : memref<12x128x3968xf32, #tpu.memory_space<hbm>> -> memref<1x128x2944xf32, #tpu.memory_space<hbm>>
        %dma_start3A_205 = tpu.memref_squeeze %dma_start3A_204 : memref<1x128x2944xf32, #tpu.memory_space<hbm>> -> memref<128x2944xf32, #tpu.memory_space<hbm>>
        tpu.enqueue_dma source(%dma_start3A_205 : memref<128x2944xf32, #tpu.memory_space<hbm>>) target(%arg5 : memref<128x2944xf32, #tpu.memory_space<vmem_shared>>) target_semaphore(%run_scoped3A_202 : memref<!tpu.dma_semaphore, #tpu.memory_space<semaphore_mem>>)
        %dma_wait3A_206 = arith.constant 0 : i32
        %dma_wait3A_207 = tpu.memref_slice %arg2[%run_scoped3A, %dma_wait3A_206, %mul3A_0] : memref<12x128x3968xf32, #tpu.memory_space<hbm>> -> memref<1x128x2944xf32, #tpu.memory_space<hbm>>
        %dma_wait3A_208 = tpu.memref_squeeze %dma_wait3A_207 : memref<1x128x2944xf32, #tpu.memory_space<hbm>> -> memref<128x2944xf32, #tpu.memory_space<hbm>>
        tpu.wait_dma2 semaphore(%run_scoped3A_202 : memref<!tpu.dma_semaphore, #tpu.memory_space<semaphore_mem>>) src(%dma_wait3A_208 : memref<128x2944xf32, #tpu.memory_space<hbm>>) dst(%arg5 : memref<128x2944xf32, #tpu.memory_space<vmem_shared>>)
        tpu.yield
      }) : () -> ()
    } else {
    }
    %barrier3A_186 = arith.constant 0 : index
    tpu.barrier barrier_id(%barrier3A_186)
    %dma_start3A_187 = arith.constant 11 : i32
    %dma_start3A_188 = tpu.memref_slice %arg3[%dma_start3A_187, %mul3A_2, %mul3A_0] : memref<12x2048x2048xf32, #tpu.memory_space<hbm>> -> memref<1x128x1024xf32, #tpu.memory_space<hbm>>
    %dma_start3A_189 = tpu.memref_squeeze %dma_start3A_188 : memref<1x128x1024xf32, #tpu.memory_space<hbm>> -> memref<128x1024xf32, #tpu.memory_space<hbm>>
    %dma_start3A_190 = arith.constant 0 : i32
    %dma_start3A_191 = tpu.memref_slice %arg5[%dma_start3A_190, %sub3A_3] : memref<128x2944xf32, #tpu.memory_space<vmem_shared>> -> memref<128x1024xf32, #tpu.memory_space<vmem_shared>>
    tpu.enqueue_dma source(%dma_start3A_191 : memref<128x1024xf32, #tpu.memory_space<vmem_shared>>) target(%dma_start3A_189 : memref<128x1024xf32, #tpu.memory_space<hbm>>) target_semaphore(%arg6 : memref<!tpu.dma_semaphore, #tpu.memory_space<semaphore_mem>>)
    %dma_wait3A_192 = arith.constant 10 : i32
    %dma_wait3A_193 = tpu.memref_slice %arg3[%dma_wait3A_192, %mul3A_2, %mul3A_0] : memref<12x2048x2048xf32, #tpu.memory_space<hbm>> -> memref<1x128x1024xf32, #tpu.memory_space<hbm>>
    %dma_wait3A_194 = tpu.memref_squeeze %dma_wait3A_193 : memref<1x128x1024xf32, #tpu.memory_space<hbm>> -> memref<128x1024xf32, #tpu.memory_space<hbm>>
    %dma_wait3A_195 = arith.constant 0 : i32
    %dma_wait3A_196 = tpu.memref_slice %arg4[%dma_wait3A_195, %sub3A_3] : memref<128x2944xf32, #tpu.memory_space<vmem_shared>> -> memref<128x1024xf32, #tpu.memory_space<vmem_shared>>
    tpu.wait_dma2 semaphore(%arg6 : memref<!tpu.dma_semaphore, #tpu.memory_space<semaphore_mem>>) src(%dma_wait3A_196 : memref<128x1024xf32, #tpu.memory_space<vmem_shared>>) dst(%dma_wait3A_194 : memref<128x1024xf32, #tpu.memory_space<hbm>>)
    %dma_wait3A_197 = arith.constant 11 : i32
    %dma_wait3A_198 = tpu.memref_slice %arg3[%dma_wait3A_197, %mul3A_2, %mul3A_0] : memref<12x2048x2048xf32, #tpu.memory_space<hbm>> -> memref<1x128x1024xf32, #tpu.memory_space<hbm>>
    %dma_wait3A_199 = tpu.memref_squeeze %dma_wait3A_198 : memref<1x128x1024xf32, #tpu.memory_space<hbm>> -> memref<128x1024xf32, #tpu.memory_space<hbm>>
    %dma_wait3A_200 = arith.constant 0 : i32
    %dma_wait3A_201 = tpu.memref_slice %arg5[%dma_wait3A_200, %sub3A_3] : memref<128x2944xf32, #tpu.memory_space<vmem_shared>> -> memref<128x1024xf32, #tpu.memory_space<vmem_shared>>
    tpu.wait_dma2 semaphore(%arg6 : memref<!tpu.dma_semaphore, #tpu.memory_space<semaphore_mem>>) src(%dma_wait3A_201 : memref<128x1024xf32, #tpu.memory_space<vmem_shared>>) dst(%dma_wait3A_199 : memref<128x1024xf32, #tpu.memory_space<hbm>>)
    return
  }
}

module attributes {stable_mosaic.version = 14 : i64} {
  func.func @_mt_body(%arg0: memref<32x12xf32, #tpu.memory_space<vmem>>, %arg1: memref<12x4096xf32, #tpu.memory_space<vmem>>) attributes {dimension_semantics = [], scalar_prefetch = 0 : i64, scratch_operands = 0 : i64, tpu.core_type = #tpu.core_type<tc>} {
    %get3A = arith.constant 0 : index
    %get3A_0 = arith.constant 0 : index
    %get3A_1 = vector.load %arg0[%get3A, %get3A_0] : memref<32x12xf32, #tpu.memory_space<vmem>>, vector<32x12xf32>
    %iota3A = tpu.iota {dimensions = array<i32: 0>} : vector<32x4096xi32>
    %iota3A_2 = tpu.iota {dimensions = array<i32: 1>} : vector<32x4096xi32>
    %sub3A = arith.constant 2047 : i32
    %sub3A_3 = vector.broadcast %sub3A : i32 to vector<32x4096xi32>
    %sub3A_4 = arith.subi %iota3A_2, %sub3A_3 : vector<32x4096xi32>
    %neg3A = arith.constant 0 : i32
    %neg3A_5 = vector.broadcast %neg3A : i32 to vector<32x4096xi32>
    %neg3A_6 = arith.subi %neg3A_5, %sub3A_4 : vector<32x4096xi32>
    %lt3A = arith.constant 0 : i32
    %lt3A_7 = vector.broadcast %lt3A : i32 to vector<32x4096xi32>
    %lt3A_8 = arith.cmpi slt, %neg3A_6, %lt3A_7 : vector<32x4096xi32>
    %jit3A = arith.constant 16 : i32
    %jit3A_9 = arith.constant 0 : i32
    %broadcast_in_dim3A = vector.broadcast %jit3A : i32 to vector<32x4096xi32>
    %broadcast_in_dim3A_10 = vector.broadcast %jit3A_9 : i32 to vector<32x4096xi32>
    %select_n3A = arith.select %lt3A_8, %broadcast_in_dim3A, %broadcast_in_dim3A_10 : vector<32x4096xi1>, vector<32x4096xi32>
    %abs3A = math.absi %neg3A_6 : vector<32x4096xi32>
    %lt3A_11 = arith.constant 8 : i32
    %lt3A_12 = vector.broadcast %lt3A_11 : i32 to vector<32x4096xi32>
    %lt3A_13 = arith.cmpi slt, %abs3A, %lt3A_12 : vector<32x4096xi32>
    %max3A = arith.constant 1 : i32
    %max3A_14 = vector.broadcast %max3A : i32 to vector<32x4096xi32>
    %max3A_15 = arith.maxsi %abs3A, %max3A_14 : vector<32x4096xi32>
    %convert_element_type3A = arith.sitofp %max3A_15 : vector<32x4096xi32> to vector<32x4096xf32>
    %div3A = arith.constant 8.000000e+00 : f32
    %div3A_16 = vector.broadcast %div3A : f32 to vector<32x4096xf32>
    %div3A_17 = arith.divf %convert_element_type3A, %div3A_16 : vector<32x4096xf32>
    %log3A = math.log %div3A_17 : vector<32x4096xf32>
    %div3A_18 = arith.constant 2.77258873 : f32
    %div3A_19 = vector.broadcast %div3A_18 : f32 to vector<32x4096xf32>
    %div3A_20 = arith.divf %log3A, %div3A_19 : vector<32x4096xf32>
    %mul3A = arith.constant 8.000000e+00 : f32
    %mul3A_21 = vector.broadcast %mul3A : f32 to vector<32x4096xf32>
    %mul3A_22 = arith.mulf %div3A_20, %mul3A_21 : vector<32x4096xf32>
    %convert_element_type3A_23 = arith.fptosi %mul3A_22 : vector<32x4096xf32> to vector<32x4096xi32>
    %add3A = arith.constant 8 : i32
    %add3A_24 = vector.broadcast %add3A : i32 to vector<32x4096xi32>
    %add3A_25 = arith.addi %add3A_24, %convert_element_type3A_23 : vector<32x4096xi32>
    %min3A = arith.constant 15 : i32
    %min3A_26 = vector.broadcast %min3A : i32 to vector<32x4096xi32>
    %min3A_27 = arith.minsi %add3A_25, %min3A_26 : vector<32x4096xi32>
    %select_n3A_28 = arith.select %lt3A_13, %abs3A, %min3A_27 : vector<32x4096xi1>, vector<32x4096xi32>
    %add3A_29 = arith.addi %select_n3A, %select_n3A_28 : vector<32x4096xi32>
    %eq3A = arith.cmpi eq, %add3A_29, %iota3A : vector<32x4096xi32>
    %convert_element_type3A_30 = arith.extui %eq3A : vector<32x4096xi1> to vector<32x4096xi32>
    %convert_element_type3A_31 = arith.sitofp %convert_element_type3A_30 : vector<32x4096xi32> to vector<32x4096xf32>
    %dot_general3A = arith.constant dense<0.000000e+00> : vector<12x4096xf32>
    %dot_general3A_32 = tpu.matmul %get3A_1, %convert_element_type3A_31, %dot_general3A {dimension_numbers = #tpu.dot_dimension_numbers<[0], [0], [1], [1], [0, 1, 1, 1], [], []>, precision = #tpu.contract_precision<fp32>, transpose_lhs_hint = false} : vector<32x12xf32>, vector<32x4096xf32>, vector<12x4096xf32> -> vector<12x4096xf32>
    %swap3A = arith.constant 0 : index
    %swap3A_33 = arith.constant 0 : index
    %swap3A_34 = vector.load %arg1[%swap3A, %swap3A_33] : memref<12x4096xf32, #tpu.memory_space<vmem>>, vector<12x4096xf32>
    tpu.vector_store %arg1[%swap3A, %swap3A_33], %dot_general3A_32 {strides = array<i32>} : memref<12x4096xf32, #tpu.memory_space<vmem>>, vector<12x4096xf32>,
    return
  }
}

module attributes {stable_mosaic.version = 14 : i64} {
  func.func @_tables_body(%arg0: i32, %arg1: memref<12x128xf32, #tpu.memory_space<vmem>>, %arg2: memref<12x128xf32, #tpu.memory_space<vmem>>, %arg3: memref<12x128x128xf32, #tpu.memory_space<vmem>>) attributes {dimension_semantics = [#tpu.dimension_semantics<arbitrary>], iteration_bounds = array<i64: 31>, scalar_prefetch = 0 : i64, scratch_operands = 0 : i64, tpu.core_type = #tpu.core_type<tc>, window_params = [{transform_indices = @transform_0, window_bounds = array<i64: 12, 128>}, {transform_indices = @transform_1, window_bounds = array<i64: 12, 128>}, {transform_indices = @transform_2, window_bounds = array<i64: 12, 128, 128>}]} {
    %get3A = arith.constant 0 : index
    %get3A_0 = arith.constant 0 : index
    %get3A_1 = vector.load %arg1[%get3A, %get3A_0] : memref<12x128xf32, #tpu.memory_space<vmem>>, vector<12x128xf32>
    %get3A_2 = arith.constant 0 : index
    %get3A_3 = arith.constant 0 : index
    %get3A_4 = vector.load %arg2[%get3A_2, %get3A_3] : memref<12x128xf32, #tpu.memory_space<vmem>>, vector<12x128xf32>
    %concatenate3A = tpu.concatenate %get3A_1, %get3A_4 in 1 : vector<12x128xf32>, vector<12x128xf32> -> vector<12x256xf32>
    %slice3A = vector.extract_strided_slice %concatenate3A {offsets = [0, 127], sizes = [12, 128], strides = [1, 1]} : vector<12x256xf32> to vector<12x128xf32>
    %swap3A = arith.constant 0 : index
    %swap3A_5 = arith.constant 0 : index
    %swap3A_6 = arith.constant 0 : index
    %swap3A_7 = vector.load %arg3[%swap3A, %swap3A_5, %swap3A_6] : memref<12x128x128xf32, #tpu.memory_space<vmem>>, vector<12x1x128xf32>
    %swap3A_8 = vector.shape_cast %swap3A_7 : vector<12x1x128xf32> to vector<12x128xf32>
    %swap3A_9 = vector.shape_cast %slice3A : vector<12x128xf32> to vector<12x1x128xf32>
    tpu.vector_store %arg3[%swap3A, %swap3A_5, %swap3A_6], %swap3A_9 {strides = array<i32>} : memref<12x128x128xf32, #tpu.memory_space<vmem>>, vector<12x1x128xf32>,
    %slice3A_10 = vector.extract_strided_slice %concatenate3A {offsets = [0, 126], sizes = [12, 128], strides = [1, 1]} : vector<12x256xf32> to vector<12x128xf32>
    %swap3A_11 = arith.constant 0 : index
    %swap3A_12 = arith.constant 1 : index
    %swap3A_13 = arith.constant 0 : index
    %swap3A_14 = vector.load %arg3[%swap3A_11, %swap3A_12, %swap3A_13] : memref<12x128x128xf32, #tpu.memory_space<vmem>>, vector<12x1x128xf32>
    %swap3A_15 = vector.shape_cast %swap3A_14 : vector<12x1x128xf32> to vector<12x128xf32>
    %swap3A_16 = vector.shape_cast %slice3A_10 : vector<12x128xf32> to vector<12x1x128xf32>
    tpu.vector_store %arg3[%swap3A_11, %swap3A_12, %swap3A_13], %swap3A_16 {strides = array<i32>} : memref<12x128x128xf32, #tpu.memory_space<vmem>>, vector<12x1x128xf32>,
    %slice3A_17 = vector.extract_strided_slice %concatenate3A {offsets = [0, 125], sizes = [12, 128], strides = [1, 1]} : vector<12x256xf32> to vector<12x128xf32>
    %swap3A_18 = arith.constant 0 : index
    %swap3A_19 = arith.constant 2 : index
    %swap3A_20 = arith.constant 0 : index
    %swap3A_21 = vector.load %arg3[%swap3A_18, %swap3A_19, %swap3A_20] : memref<12x128x128xf32, #tpu.memory_space<vmem>>, vector<12x1x128xf32>
    %swap3A_22 = vector.shape_cast %swap3A_21 : vector<12x1x128xf32> to vector<12x128xf32>
    %swap3A_23 = vector.shape_cast %slice3A_17 : vector<12x128xf32> to vector<12x1x128xf32>
    tpu.vector_store %arg3[%swap3A_18, %swap3A_19, %swap3A_20], %swap3A_23 {strides = array<i32>} : memref<12x128x128xf32, #tpu.memory_space<vmem>>, vector<12x1x128xf32>,
    %slice3A_24 = vector.extract_strided_slice %concatenate3A {offsets = [0, 124], sizes = [12, 128], strides = [1, 1]} : vector<12x256xf32> to vector<12x128xf32>
    %swap3A_25 = arith.constant 0 : index
    %swap3A_26 = arith.constant 3 : index
    %swap3A_27 = arith.constant 0 : index
    %swap3A_28 = vector.load %arg3[%swap3A_25, %swap3A_26, %swap3A_27] : memref<12x128x128xf32, #tpu.memory_space<vmem>>, vector<12x1x128xf32>
    %swap3A_29 = vector.shape_cast %swap3A_28 : vector<12x1x128xf32> to vector<12x128xf32>
    %swap3A_30 = vector.shape_cast %slice3A_24 : vector<12x128xf32> to vector<12x1x128xf32>
    tpu.vector_store %arg3[%swap3A_25, %swap3A_26, %swap3A_27], %swap3A_30 {strides = array<i32>} : memref<12x128x128xf32, #tpu.memory_space<vmem>>, vector<12x1x128xf32>,
    %slice3A_31 = vector.extract_strided_slice %concatenate3A {offsets = [0, 123], sizes = [12, 128], strides = [1, 1]} : vector<12x256xf32> to vector<12x128xf32>
    %swap3A_32 = arith.constant 0 : index
    %swap3A_33 = arith.constant 4 : index
    %swap3A_34 = arith.constant 0 : index
    %swap3A_35 = vector.load %arg3[%swap3A_32, %swap3A_33, %swap3A_34] : memref<12x128x128xf32, #tpu.memory_space<vmem>>, vector<12x1x128xf32>
    %swap3A_36 = vector.shape_cast %swap3A_35 : vector<12x1x128xf32> to vector<12x128xf32>
    %swap3A_37 = vector.shape_cast %slice3A_31 : vector<12x128xf32> to vector<12x1x128xf32>
    tpu.vector_store %arg3[%swap3A_32, %swap3A_33, %swap3A_34], %swap3A_37 {strides = array<i32>} : memref<12x128x128xf32, #tpu.memory_space<vmem>>, vector<12x1x128xf32>,
    %slice3A_38 = vector.extract_strided_slice %concatenate3A {offsets = [0, 122], sizes = [12, 128], strides = [1, 1]} : vector<12x256xf32> to vector<12x128xf32>
    %swap3A_39 = arith.constant 0 : index
    %swap3A_40 = arith.constant 5 : index
    %swap3A_41 = arith.constant 0 : index
    %swap3A_42 = vector.load %arg3[%swap3A_39, %swap3A_40, %swap3A_41] : memref<12x128x128xf32, #tpu.memory_space<vmem>>, vector<12x1x128xf32>
    %swap3A_43 = vector.shape_cast %swap3A_42 : vector<12x1x128xf32> to vector<12x128xf32>
    %swap3A_44 = vector.shape_cast %slice3A_38 : vector<12x128xf32> to vector<12x1x128xf32>
    tpu.vector_store %arg3[%swap3A_39, %swap3A_40, %swap3A_41], %swap3A_44 {strides = array<i32>} : memref<12x128x128xf32, #tpu.memory_space<vmem>>, vector<12x1x128xf32>,
    %slice3A_45 = vector.extract_strided_slice %concatenate3A {offsets = [0, 121], sizes = [12, 128], strides = [1, 1]} : vector<12x256xf32> to vector<12x128xf32>
    %swap3A_46 = arith.constant 0 : index
    %swap3A_47 = arith.constant 6 : index
    %swap3A_48 = arith.constant 0 : index
    %swap3A_49 = vector.load %arg3[%swap3A_46, %swap3A_47, %swap3A_48] : memref<12x128x128xf32, #tpu.memory_space<vmem>>, vector<12x1x128xf32>
    %swap3A_50 = vector.shape_cast %swap3A_49 : vector<12x1x128xf32> to vector<12x128xf32>
    %swap3A_51 = vector.shape_cast %slice3A_45 : vector<12x128xf32> to vector<12x1x128xf32>
    tpu.vector_store %arg3[%swap3A_46, %swap3A_47, %swap3A_48], %swap3A_51 {strides = array<i32>} : memref<12x128x128xf32, #tpu.memory_space<vmem>>, vector<12x1x128xf32>,
    %slice3A_52 = vector.extract_strided_slice %concatenate3A {offsets = [0, 120], sizes = [12, 128], strides = [1, 1]} : vector<12x256xf32> to vector<12x128xf32>
    %swap3A_53 = arith.constant 0 : index
    %swap3A_54 = arith.constant 7 : index
    %swap3A_55 = arith.constant 0 : index
    %swap3A_56 = vector.load %arg3[%swap3A_53, %swap3A_54, %swap3A_55] : memref<12x128x128xf32, #tpu.memory_space<vmem>>, vector<12x1x128xf32>
    %swap3A_57 = vector.shape_cast %swap3A_56 : vector<12x1x128xf32> to vector<12x128xf32>
    %swap3A_58 = vector.shape_cast %slice3A_52 : vector<12x128xf32> to vector<12x1x128xf32>
    tpu.vector_store %arg3[%swap3A_53, %swap3A_54, %swap3A_55], %swap3A_58 {strides = array<i32>} : memref<12x128x128xf32, #tpu.memory_space<vmem>>, vector<12x1x128xf32>,
    %slice3A_59 = vector.extract_strided_slice %concatenate3A {offsets = [0, 119], sizes = [12, 128], strides = [1, 1]} : vector<12x256xf32> to vector<12x128xf32>
    %swap3A_60 = arith.constant 0 : index
    %swap3A_61 = arith.constant 8 : index
    %swap3A_62 = arith.constant 0 : index
    %swap3A_63 = vector.load %arg3[%swap3A_60, %swap3A_61, %swap3A_62] : memref<12x128x128xf32, #tpu.memory_space<vmem>>, vector<12x1x128xf32>
    %swap3A_64 = vector.shape_cast %swap3A_63 : vector<12x1x128xf32> to vector<12x128xf32>
    %swap3A_65 = vector.shape_cast %slice3A_59 : vector<12x128xf32> to vector<12x1x128xf32>
    tpu.vector_store %arg3[%swap3A_60, %swap3A_61, %swap3A_62], %swap3A_65 {strides = array<i32>} : memref<12x128x128xf32, #tpu.memory_space<vmem>>, vector<12x1x128xf32>,
    %slice3A_66 = vector.extract_strided_slice %concatenate3A {offsets = [0, 118], sizes = [12, 128], strides = [1, 1]} : vector<12x256xf32> to vector<12x128xf32>
    %swap3A_67 = arith.constant 0 : index
    %swap3A_68 = arith.constant 9 : index
    %swap3A_69 = arith.constant 0 : index
    %swap3A_70 = vector.load %arg3[%swap3A_67, %swap3A_68, %swap3A_69] : memref<12x128x128xf32, #tpu.memory_space<vmem>>, vector<12x1x128xf32>
    %swap3A_71 = vector.shape_cast %swap3A_70 : vector<12x1x128xf32> to vector<12x128xf32>
    %swap3A_72 = vector.shape_cast %slice3A_66 : vector<12x128xf32> to vector<12x1x128xf32>
    tpu.vector_store %arg3[%swap3A_67, %swap3A_68, %swap3A_69], %swap3A_72 {strides = array<i32>} : memref<12x128x128xf32, #tpu.memory_space<vmem>>, vector<12x1x128xf32>,
    %slice3A_73 = vector.extract_strided_slice %concatenate3A {offsets = [0, 117], sizes = [12, 128], strides = [1, 1]} : vector<12x256xf32> to vector<12x128xf32>
    %swap3A_74 = arith.constant 0 : index
    %swap3A_75 = arith.constant 10 : index
    %swap3A_76 = arith.constant 0 : index
    %swap3A_77 = vector.load %arg3[%swap3A_74, %swap3A_75, %swap3A_76] : memref<12x128x128xf32, #tpu.memory_space<vmem>>, vector<12x1x128xf32>
    %swap3A_78 = vector.shape_cast %swap3A_77 : vector<12x1x128xf32> to vector<12x128xf32>
    %swap3A_79 = vector.shape_cast %slice3A_73 : vector<12x128xf32> to vector<12x1x128xf32>
    tpu.vector_store %arg3[%swap3A_74, %swap3A_75, %swap3A_76], %swap3A_79 {strides = array<i32>} : memref<12x128x128xf32, #tpu.memory_space<vmem>>, vector<12x1x128xf32>,
    %slice3A_80 = vector.extract_strided_slice %concatenate3A {offsets = [0, 116], sizes = [12, 128], strides = [1, 1]} : vector<12x256xf32> to vector<12x128xf32>
    %swap3A_81 = arith.constant 0 : index
    %swap3A_82 = arith.constant 11 : index
    %swap3A_83 = arith.constant 0 : index
    %swap3A_84 = vector.load %arg3[%swap3A_81, %swap3A_82, %swap3A_83] : memref<12x128x128xf32, #tpu.memory_space<vmem>>, vector<12x1x128xf32>
    %swap3A_85 = vector.shape_cast %swap3A_84 : vector<12x1x128xf32> to vector<12x128xf32>
    %swap3A_86 = vector.shape_cast %slice3A_80 : vector<12x128xf32> to vector<12x1x128xf32>
    tpu.vector_store %arg3[%swap3A_81, %swap3A_82, %swap3A_83], %swap3A_86 {strides = array<i32>} : memref<12x128x128xf32, #tpu.memory_space<vmem>>, vector<12x1x128xf32>,
    %slice3A_87 = vector.extract_strided_slice %concatenate3A {offsets = [0, 115], sizes = [12, 128], strides = [1, 1]} : vector<12x256xf32> to vector<12x128xf32>
    %swap3A_88 = arith.constant 0 : index
    %swap3A_89 = arith.constant 12 : index
    %swap3A_90 = arith.constant 0 : index
    %swap3A_91 = vector.load %arg3[%swap3A_88, %swap3A_89, %swap3A_90] : memref<12x128x128xf32, #tpu.memory_space<vmem>>, vector<12x1x128xf32>
    %swap3A_92 = vector.shape_cast %swap3A_91 : vector<12x1x128xf32> to vector<12x128xf32>
    %swap3A_93 = vector.shape_cast %slice3A_87 : vector<12x128xf32> to vector<12x1x128xf32>
    tpu.vector_store %arg3[%swap3A_88, %swap3A_89, %swap3A_90], %swap3A_93 {strides = array<i32>} : memref<12x128x128xf32, #tpu.memory_space<vmem>>, vector<12x1x128xf32>,
    %slice3A_94 = vector.extract_strided_slice %concatenate3A {offsets = [0, 114], sizes = [12, 128], strides = [1, 1]} : vector<12x256xf32> to vector<12x128xf32>
    %swap3A_95 = arith.constant 0 : index
    %swap3A_96 = arith.constant 13 : index
    %swap3A_97 = arith.constant 0 : index
    %swap3A_98 = vector.load %arg3[%swap3A_95, %swap3A_96, %swap3A_97] : memref<12x128x128xf32, #tpu.memory_space<vmem>>, vector<12x1x128xf32>
    %swap3A_99 = vector.shape_cast %swap3A_98 : vector<12x1x128xf32> to vector<12x128xf32>
    %swap3A_100 = vector.shape_cast %slice3A_94 : vector<12x128xf32> to vector<12x1x128xf32>
    tpu.vector_store %arg3[%swap3A_95, %swap3A_96, %swap3A_97], %swap3A_100 {strides = array<i32>} : memref<12x128x128xf32, #tpu.memory_space<vmem>>, vector<12x1x128xf32>,
    %slice3A_101 = vector.extract_strided_slice %concatenate3A {offsets = [0, 113], sizes = [12, 128], strides = [1, 1]} : vector<12x256xf32> to vector<12x128xf32>
    %swap3A_102 = arith.constant 0 : index
    %swap3A_103 = arith.constant 14 : index
    %swap3A_104 = arith.constant 0 : index
    %swap3A_105 = vector.load %arg3[%swap3A_102, %swap3A_103, %swap3A_104] : memref<12x128x128xf32, #tpu.memory_space<vmem>>, vector<12x1x128xf32>
    %swap3A_106 = vector.shape_cast %swap3A_105 : vector<12x1x128xf32> to vector<12x128xf32>
    %swap3A_107 = vector.shape_cast %slice3A_101 : vector<12x128xf32> to vector<12x1x128xf32>
    tpu.vector_store %arg3[%swap3A_102, %swap3A_103, %swap3A_104], %swap3A_107 {strides = array<i32>} : memref<12x128x128xf32, #tpu.memory_space<vmem>>, vector<12x1x128xf32>,
    %slice3A_108 = vector.extract_strided_slice %concatenate3A {offsets = [0, 112], sizes = [12, 128], strides = [1, 1]} : vector<12x256xf32> to vector<12x128xf32>
    %swap3A_109 = arith.constant 0 : index
    %swap3A_110 = arith.constant 15 : index
    %swap3A_111 = arith.constant 0 : index
    %swap3A_112 = vector.load %arg3[%swap3A_109, %swap3A_110, %swap3A_111] : memref<12x128x128xf32, #tpu.memory_space<vmem>>, vector<12x1x128xf32>
    %swap3A_113 = vector.shape_cast %swap3A_112 : vector<12x1x128xf32> to vector<12x128xf32>
    %swap3A_114 = vector.shape_cast %slice3A_108 : vector<12x128xf32> to vector<12x1x128xf32>
    tpu.vector_store %arg3[%swap3A_109, %swap3A_110, %swap3A_111], %swap3A_114 {strides = array<i32>} : memref<12x128x128xf32, #tpu.memory_space<vmem>>, vector<12x1x128xf32>,
    %slice3A_115 = vector.extract_strided_slice %concatenate3A {offsets = [0, 111], sizes = [12, 128], strides = [1, 1]} : vector<12x256xf32> to vector<12x128xf32>
    %swap3A_116 = arith.constant 0 : index
    %swap3A_117 = arith.constant 16 : index
    %swap3A_118 = arith.constant 0 : index
    %swap3A_119 = vector.load %arg3[%swap3A_116, %swap3A_117, %swap3A_118] : memref<12x128x128xf32, #tpu.memory_space<vmem>>, vector<12x1x128xf32>
    %swap3A_120 = vector.shape_cast %swap3A_119 : vector<12x1x128xf32> to vector<12x128xf32>
    %swap3A_121 = vector.shape_cast %slice3A_115 : vector<12x128xf32> to vector<12x1x128xf32>
    tpu.vector_store %arg3[%swap3A_116, %swap3A_117, %swap3A_118], %swap3A_121 {strides = array<i32>} : memref<12x128x128xf32, #tpu.memory_space<vmem>>, vector<12x1x128xf32>,
    %slice3A_122 = vector.extract_strided_slice %concatenate3A {offsets = [0, 110], sizes = [12, 128], strides = [1, 1]} : vector<12x256xf32> to vector<12x128xf32>
    %swap3A_123 = arith.constant 0 : index
    %swap3A_124 = arith.constant 17 : index
    %swap3A_125 = arith.constant 0 : index
    %swap3A_126 = vector.load %arg3[%swap3A_123, %swap3A_124, %swap3A_125] : memref<12x128x128xf32, #tpu.memory_space<vmem>>, vector<12x1x128xf32>
    %swap3A_127 = vector.shape_cast %swap3A_126 : vector<12x1x128xf32> to vector<12x128xf32>
    %swap3A_128 = vector.shape_cast %slice3A_122 : vector<12x128xf32> to vector<12x1x128xf32>
    tpu.vector_store %arg3[%swap3A_123, %swap3A_124, %swap3A_125], %swap3A_128 {strides = array<i32>} : memref<12x128x128xf32, #tpu.memory_space<vmem>>, vector<12x1x128xf32>,
    %slice3A_129 = vector.extract_strided_slice %concatenate3A {offsets = [0, 109], sizes = [12, 128], strides = [1, 1]} : vector<12x256xf32> to vector<12x128xf32>
    %swap3A_130 = arith.constant 0 : index
    %swap3A_131 = arith.constant 18 : index
    %swap3A_132 = arith.constant 0 : index
    %swap3A_133 = vector.load %arg3[%swap3A_130, %swap3A_131, %swap3A_132] : memref<12x128x128xf32, #tpu.memory_space<vmem>>, vector<12x1x128xf32>
    %swap3A_134 = vector.shape_cast %swap3A_133 : vector<12x1x128xf32> to vector<12x128xf32>
    %swap3A_135 = vector.shape_cast %slice3A_129 : vector<12x128xf32> to vector<12x1x128xf32>
    tpu.vector_store %arg3[%swap3A_130, %swap3A_131, %swap3A_132], %swap3A_135 {strides = array<i32>} : memref<12x128x128xf32, #tpu.memory_space<vmem>>, vector<12x1x128xf32>,
    %slice3A_136 = vector.extract_strided_slice %concatenate3A {offsets = [0, 108], sizes = [12, 128], strides = [1, 1]} : vector<12x256xf32> to vector<12x128xf32>
    %swap3A_137 = arith.constant 0 : index
    %swap3A_138 = arith.constant 19 : index
    %swap3A_139 = arith.constant 0 : index
    %swap3A_140 = vector.load %arg3[%swap3A_137, %swap3A_138, %swap3A_139] : memref<12x128x128xf32, #tpu.memory_space<vmem>>, vector<12x1x128xf32>
    %swap3A_141 = vector.shape_cast %swap3A_140 : vector<12x1x128xf32> to vector<12x128xf32>
    %swap3A_142 = vector.shape_cast %slice3A_136 : vector<12x128xf32> to vector<12x1x128xf32>
    tpu.vector_store %arg3[%swap3A_137, %swap3A_138, %swap3A_139], %swap3A_142 {strides = array<i32>} : memref<12x128x128xf32, #tpu.memory_space<vmem>>, vector<12x1x128xf32>,
    %slice3A_143 = vector.extract_strided_slice %concatenate3A {offsets = [0, 107], sizes = [12, 128], strides = [1, 1]} : vector<12x256xf32> to vector<12x128xf32>
    %swap3A_144 = arith.constant 0 : index
    %swap3A_145 = arith.constant 20 : index
    %swap3A_146 = arith.constant 0 : index
    %swap3A_147 = vector.load %arg3[%swap3A_144, %swap3A_145, %swap3A_146] : memref<12x128x128xf32, #tpu.memory_space<vmem>>, vector<12x1x128xf32>
    %swap3A_148 = vector.shape_cast %swap3A_147 : vector<12x1x128xf32> to vector<12x128xf32>
    %swap3A_149 = vector.shape_cast %slice3A_143 : vector<12x128xf32> to vector<12x1x128xf32>
    tpu.vector_store %arg3[%swap3A_144, %swap3A_145, %swap3A_146], %swap3A_149 {strides = array<i32>} : memref<12x128x128xf32, #tpu.memory_space<vmem>>, vector<12x1x128xf32>,
    %slice3A_150 = vector.extract_strided_slice %concatenate3A {offsets = [0, 106], sizes = [12, 128], strides = [1, 1]} : vector<12x256xf32> to vector<12x128xf32>
    %swap3A_151 = arith.constant 0 : index
    %swap3A_152 = arith.constant 21 : index
    %swap3A_153 = arith.constant 0 : index
    %swap3A_154 = vector.load %arg3[%swap3A_151, %swap3A_152, %swap3A_153] : memref<12x128x128xf32, #tpu.memory_space<vmem>>, vector<12x1x128xf32>
    %swap3A_155 = vector.shape_cast %swap3A_154 : vector<12x1x128xf32> to vector<12x128xf32>
    %swap3A_156 = vector.shape_cast %slice3A_150 : vector<12x128xf32> to vector<12x1x128xf32>
    tpu.vector_store %arg3[%swap3A_151, %swap3A_152, %swap3A_153], %swap3A_156 {strides = array<i32>} : memref<12x128x128xf32, #tpu.memory_space<vmem>>, vector<12x1x128xf32>,
    %slice3A_157 = vector.extract_strided_slice %concatenate3A {offsets = [0, 105], sizes = [12, 128], strides = [1, 1]} : vector<12x256xf32> to vector<12x128xf32>
    %swap3A_158 = arith.constant 0 : index
    %swap3A_159 = arith.constant 22 : index
    %swap3A_160 = arith.constant 0 : index
    %swap3A_161 = vector.load %arg3[%swap3A_158, %swap3A_159, %swap3A_160] : memref<12x128x128xf32, #tpu.memory_space<vmem>>, vector<12x1x128xf32>
    %swap3A_162 = vector.shape_cast %swap3A_161 : vector<12x1x128xf32> to vector<12x128xf32>
    %swap3A_163 = vector.shape_cast %slice3A_157 : vector<12x128xf32> to vector<12x1x128xf32>
    tpu.vector_store %arg3[%swap3A_158, %swap3A_159, %swap3A_160], %swap3A_163 {strides = array<i32>} : memref<12x128x128xf32, #tpu.memory_space<vmem>>, vector<12x1x128xf32>,
    %slice3A_164 = vector.extract_strided_slice %concatenate3A {offsets = [0, 104], sizes = [12, 128], strides = [1, 1]} : vector<12x256xf32> to vector<12x128xf32>
    %swap3A_165 = arith.constant 0 : index
    %swap3A_166 = arith.constant 23 : index
    %swap3A_167 = arith.constant 0 : index
    %swap3A_168 = vector.load %arg3[%swap3A_165, %swap3A_166, %swap3A_167] : memref<12x128x128xf32, #tpu.memory_space<vmem>>, vector<12x1x128xf32>
    %swap3A_169 = vector.shape_cast %swap3A_168 : vector<12x1x128xf32> to vector<12x128xf32>
    %swap3A_170 = vector.shape_cast %slice3A_164 : vector<12x128xf32> to vector<12x1x128xf32>
    tpu.vector_store %arg3[%swap3A_165, %swap3A_166, %swap3A_167], %swap3A_170 {strides = array<i32>} : memref<12x128x128xf32, #tpu.memory_space<vmem>>, vector<12x1x128xf32>,
    %slice3A_171 = vector.extract_strided_slice %concatenate3A {offsets = [0, 103], sizes = [12, 128], strides = [1, 1]} : vector<12x256xf32> to vector<12x128xf32>
    %swap3A_172 = arith.constant 0 : index
    %swap3A_173 = arith.constant 24 : index
    %swap3A_174 = arith.constant 0 : index
    %swap3A_175 = vector.load %arg3[%swap3A_172, %swap3A_173, %swap3A_174] : memref<12x128x128xf32, #tpu.memory_space<vmem>>, vector<12x1x128xf32>
    %swap3A_176 = vector.shape_cast %swap3A_175 : vector<12x1x128xf32> to vector<12x128xf32>
    %swap3A_177 = vector.shape_cast %slice3A_171 : vector<12x128xf32> to vector<12x1x128xf32>
    tpu.vector_store %arg3[%swap3A_172, %swap3A_173, %swap3A_174], %swap3A_177 {strides = array<i32>} : memref<12x128x128xf32, #tpu.memory_space<vmem>>, vector<12x1x128xf32>,
    %slice3A_178 = vector.extract_strided_slice %concatenate3A {offsets = [0, 102], sizes = [12, 128], strides = [1, 1]} : vector<12x256xf32> to vector<12x128xf32>
    %swap3A_179 = arith.constant 0 : index
    %swap3A_180 = arith.constant 25 : index
    %swap3A_181 = arith.constant 0 : index
    %swap3A_182 = vector.load %arg3[%swap3A_179, %swap3A_180, %swap3A_181] : memref<12x128x128xf32, #tpu.memory_space<vmem>>, vector<12x1x128xf32>
    %swap3A_183 = vector.shape_cast %swap3A_182 : vector<12x1x128xf32> to vector<12x128xf32>
    %swap3A_184 = vector.shape_cast %slice3A_178 : vector<12x128xf32> to vector<12x1x128xf32>
    tpu.vector_store %arg3[%swap3A_179, %swap3A_180, %swap3A_181], %swap3A_184 {strides = array<i32>} : memref<12x128x128xf32, #tpu.memory_space<vmem>>, vector<12x1x128xf32>,
    %slice3A_185 = vector.extract_strided_slice %concatenate3A {offsets = [0, 101], sizes = [12, 128], strides = [1, 1]} : vector<12x256xf32> to vector<12x128xf32>
    %swap3A_186 = arith.constant 0 : index
    %swap3A_187 = arith.constant 26 : index
    %swap3A_188 = arith.constant 0 : index
    %swap3A_189 = vector.load %arg3[%swap3A_186, %swap3A_187, %swap3A_188] : memref<12x128x128xf32, #tpu.memory_space<vmem>>, vector<12x1x128xf32>
    %swap3A_190 = vector.shape_cast %swap3A_189 : vector<12x1x128xf32> to vector<12x128xf32>
    %swap3A_191 = vector.shape_cast %slice3A_185 : vector<12x128xf32> to vector<12x1x128xf32>
    tpu.vector_store %arg3[%swap3A_186, %swap3A_187, %swap3A_188], %swap3A_191 {strides = array<i32>} : memref<12x128x128xf32, #tpu.memory_space<vmem>>, vector<12x1x128xf32>,
    %slice3A_192 = vector.extract_strided_slice %concatenate3A {offsets = [0, 100], sizes = [12, 128], strides = [1, 1]} : vector<12x256xf32> to vector<12x128xf32>
    %swap3A_193 = arith.constant 0 : index
    %swap3A_194 = arith.constant 27 : index
    %swap3A_195 = arith.constant 0 : index
    %swap3A_196 = vector.load %arg3[%swap3A_193, %swap3A_194, %swap3A_195] : memref<12x128x128xf32, #tpu.memory_space<vmem>>, vector<12x1x128xf32>
    %swap3A_197 = vector.shape_cast %swap3A_196 : vector<12x1x128xf32> to vector<12x128xf32>
    %swap3A_198 = vector.shape_cast %slice3A_192 : vector<12x128xf32> to vector<12x1x128xf32>
    tpu.vector_store %arg3[%swap3A_193, %swap3A_194, %swap3A_195], %swap3A_198 {strides = array<i32>} : memref<12x128x128xf32, #tpu.memory_space<vmem>>, vector<12x1x128xf32>,
    %slice3A_199 = vector.extract_strided_slice %concatenate3A {offsets = [0, 99], sizes = [12, 128], strides = [1, 1]} : vector<12x256xf32> to vector<12x128xf32>
    %swap3A_200 = arith.constant 0 : index
    %swap3A_201 = arith.constant 28 : index
    %swap3A_202 = arith.constant 0 : index
    %swap3A_203 = vector.load %arg3[%swap3A_200, %swap3A_201, %swap3A_202] : memref<12x128x128xf32, #tpu.memory_space<vmem>>, vector<12x1x128xf32>
    %swap3A_204 = vector.shape_cast %swap3A_203 : vector<12x1x128xf32> to vector<12x128xf32>
    %swap3A_205 = vector.shape_cast %slice3A_199 : vector<12x128xf32> to vector<12x1x128xf32>
    tpu.vector_store %arg3[%swap3A_200, %swap3A_201, %swap3A_202], %swap3A_205 {strides = array<i32>} : memref<12x128x128xf32, #tpu.memory_space<vmem>>, vector<12x1x128xf32>,
    %slice3A_206 = vector.extract_strided_slice %concatenate3A {offsets = [0, 98], sizes = [12, 128], strides = [1, 1]} : vector<12x256xf32> to vector<12x128xf32>
    %swap3A_207 = arith.constant 0 : index
    %swap3A_208 = arith.constant 29 : index
    %swap3A_209 = arith.constant 0 : index
    %swap3A_210 = vector.load %arg3[%swap3A_207, %swap3A_208, %swap3A_209] : memref<12x128x128xf32, #tpu.memory_space<vmem>>, vector<12x1x128xf32>
    %swap3A_211 = vector.shape_cast %swap3A_210 : vector<12x1x128xf32> to vector<12x128xf32>
    %swap3A_212 = vector.shape_cast %slice3A_206 : vector<12x128xf32> to vector<12x1x128xf32>
    tpu.vector_store %arg3[%swap3A_207, %swap3A_208, %swap3A_209], %swap3A_212 {strides = array<i32>} : memref<12x128x128xf32, #tpu.memory_space<vmem>>, vector<12x1x128xf32>,
    %slice3A_213 = vector.extract_strided_slice %concatenate3A {offsets = [0, 97], sizes = [12, 128], strides = [1, 1]} : vector<12x256xf32> to vector<12x128xf32>
    %swap3A_214 = arith.constant 0 : index
    %swap3A_215 = arith.constant 30 : index
    %swap3A_216 = arith.constant 0 : index
    %swap3A_217 = vector.load %arg3[%swap3A_214, %swap3A_215, %swap3A_216] : memref<12x128x128xf32, #tpu.memory_space<vmem>>, vector<12x1x128xf32>
    %swap3A_218 = vector.shape_cast %swap3A_217 : vector<12x1x128xf32> to vector<12x128xf32>
    %swap3A_219 = vector.shape_cast %slice3A_213 : vector<12x128xf32> to vector<12x1x128xf32>
    tpu.vector_store %arg3[%swap3A_214, %swap3A_215, %swap3A_216], %swap3A_219 {strides = array<i32>} : memref<12x128x128xf32, #tpu.memory_space<vmem>>, vector<12x1x128xf32>,
    %slice3A_220 = vector.extract_strided_slice %concatenate3A {offsets = [0, 96], sizes = [12, 128], strides = [1, 1]} : vector<12x256xf32> to vector<12x128xf32>
    %swap3A_221 = arith.constant 0 : index
    %swap3A_222 = arith.constant 31 : index
    %swap3A_223 = arith.constant 0 : index
    %swap3A_224 = vector.load %arg3[%swap3A_221, %swap3A_222, %swap3A_223] : memref<12x128x128xf32, #tpu.memory_space<vmem>>, vector<12x1x128xf32>
    %swap3A_225 = vector.shape_cast %swap3A_224 : vector<12x1x128xf32> to vector<12x128xf32>
    %swap3A_226 = vector.shape_cast %slice3A_220 : vector<12x128xf32> to vector<12x1x128xf32>
    tpu.vector_store %arg3[%swap3A_221, %swap3A_222, %swap3A_223], %swap3A_226 {strides = array<i32>} : memref<12x128x128xf32, #tpu.memory_space<vmem>>, vector<12x1x128xf32>,
    %slice3A_227 = vector.extract_strided_slice %concatenate3A {offsets = [0, 95], sizes = [12, 128], strides = [1, 1]} : vector<12x256xf32> to vector<12x128xf32>
    %swap3A_228 = arith.constant 0 : index
    %swap3A_229 = arith.constant 32 : index
    %swap3A_230 = arith.constant 0 : index
    %swap3A_231 = vector.load %arg3[%swap3A_228, %swap3A_229, %swap3A_230] : memref<12x128x128xf32, #tpu.memory_space<vmem>>, vector<12x1x128xf32>
    %swap3A_232 = vector.shape_cast %swap3A_231 : vector<12x1x128xf32> to vector<12x128xf32>
    %swap3A_233 = vector.shape_cast %slice3A_227 : vector<12x128xf32> to vector<12x1x128xf32>
    tpu.vector_store %arg3[%swap3A_228, %swap3A_229, %swap3A_230], %swap3A_233 {strides = array<i32>} : memref<12x128x128xf32, #tpu.memory_space<vmem>>, vector<12x1x128xf32>,
    %slice3A_234 = vector.extract_strided_slice %concatenate3A {offsets = [0, 94], sizes = [12, 128], strides = [1, 1]} : vector<12x256xf32> to vector<12x128xf32>
    %swap3A_235 = arith.constant 0 : index
    %swap3A_236 = arith.constant 33 : index
    %swap3A_237 = arith.constant 0 : index
    %swap3A_238 = vector.load %arg3[%swap3A_235, %swap3A_236, %swap3A_237] : memref<12x128x128xf32, #tpu.memory_space<vmem>>, vector<12x1x128xf32>
    %swap3A_239 = vector.shape_cast %swap3A_238 : vector<12x1x128xf32> to vector<12x128xf32>
    %swap3A_240 = vector.shape_cast %slice3A_234 : vector<12x128xf32> to vector<12x1x128xf32>
    tpu.vector_store %arg3[%swap3A_235, %swap3A_236, %swap3A_237], %swap3A_240 {strides = array<i32>} : memref<12x128x128xf32, #tpu.memory_space<vmem>>, vector<12x1x128xf32>,
    %slice3A_241 = vector.extract_strided_slice %concatenate3A {offsets = [0, 93], sizes = [12, 128], strides = [1, 1]} : vector<12x256xf32> to vector<12x128xf32>
    %swap3A_242 = arith.constant 0 : index
    %swap3A_243 = arith.constant 34 : index
    %swap3A_244 = arith.constant 0 : index
    %swap3A_245 = vector.load %arg3[%swap3A_242, %swap3A_243, %swap3A_244] : memref<12x128x128xf32, #tpu.memory_space<vmem>>, vector<12x1x128xf32>
    %swap3A_246 = vector.shape_cast %swap3A_245 : vector<12x1x128xf32> to vector<12x128xf32>
    %swap3A_247 = vector.shape_cast %slice3A_241 : vector<12x128xf32> to vector<12x1x128xf32>
    tpu.vector_store %arg3[%swap3A_242, %swap3A_243, %swap3A_244], %swap3A_247 {strides = array<i32>} : memref<12x128x128xf32, #tpu.memory_space<vmem>>, vector<12x1x128xf32>,
    %slice3A_248 = vector.extract_strided_slice %concatenate3A {offsets = [0, 92], sizes = [12, 128], strides = [1, 1]} : vector<12x256xf32> to vector<12x128xf32>
    %swap3A_249 = arith.constant 0 : index
    %swap3A_250 = arith.constant 35 : index
    %swap3A_251 = arith.constant 0 : index
    %swap3A_252 = vector.load %arg3[%swap3A_249, %swap3A_250, %swap3A_251] : memref<12x128x128xf32, #tpu.memory_space<vmem>>, vector<12x1x128xf32>
    %swap3A_253 = vector.shape_cast %swap3A_252 : vector<12x1x128xf32> to vector<12x128xf32>
    %swap3A_254 = vector.shape_cast %slice3A_248 : vector<12x128xf32> to vector<12x1x128xf32>
    tpu.vector_store %arg3[%swap3A_249, %swap3A_250, %swap3A_251], %swap3A_254 {strides = array<i32>} : memref<12x128x128xf32, #tpu.memory_space<vmem>>, vector<12x1x128xf32>,
    %slice3A_255 = vector.extract_strided_slice %concatenate3A {offsets = [0, 91], sizes = [12, 128], strides = [1, 1]} : vector<12x256xf32> to vector<12x128xf32>
    %swap3A_256 = arith.constant 0 : index
    %swap3A_257 = arith.constant 36 : index
    %swap3A_258 = arith.constant 0 : index
    %swap3A_259 = vector.load %arg3[%swap3A_256, %swap3A_257, %swap3A_258] : memref<12x128x128xf32, #tpu.memory_space<vmem>>, vector<12x1x128xf32>
    %swap3A_260 = vector.shape_cast %swap3A_259 : vector<12x1x128xf32> to vector<12x128xf32>
    %swap3A_261 = vector.shape_cast %slice3A_255 : vector<12x128xf32> to vector<12x1x128xf32>
    tpu.vector_store %arg3[%swap3A_256, %swap3A_257, %swap3A_258], %swap3A_261 {strides = array<i32>} : memref<12x128x128xf32, #tpu.memory_space<vmem>>, vector<12x1x128xf32>,
    %slice3A_262 = vector.extract_strided_slice %concatenate3A {offsets = [0, 90], sizes = [12, 128], strides = [1, 1]} : vector<12x256xf32> to vector<12x128xf32>
    %swap3A_263 = arith.constant 0 : index
    %swap3A_264 = arith.constant 37 : index
    %swap3A_265 = arith.constant 0 : index
    %swap3A_266 = vector.load %arg3[%swap3A_263, %swap3A_264, %swap3A_265] : memref<12x128x128xf32, #tpu.memory_space<vmem>>, vector<12x1x128xf32>
    %swap3A_267 = vector.shape_cast %swap3A_266 : vector<12x1x128xf32> to vector<12x128xf32>
    %swap3A_268 = vector.shape_cast %slice3A_262 : vector<12x128xf32> to vector<12x1x128xf32>
    tpu.vector_store %arg3[%swap3A_263, %swap3A_264, %swap3A_265], %swap3A_268 {strides = array<i32>} : memref<12x128x128xf32, #tpu.memory_space<vmem>>, vector<12x1x128xf32>,
    %slice3A_269 = vector.extract_strided_slice %concatenate3A {offsets = [0, 89], sizes = [12, 128], strides = [1, 1]} : vector<12x256xf32> to vector<12x128xf32>
    %swap3A_270 = arith.constant 0 : index
    %swap3A_271 = arith.constant 38 : index
    %swap3A_272 = arith.constant 0 : index
    %swap3A_273 = vector.load %arg3[%swap3A_270, %swap3A_271, %swap3A_272] : memref<12x128x128xf32, #tpu.memory_space<vmem>>, vector<12x1x128xf32>
    %swap3A_274 = vector.shape_cast %swap3A_273 : vector<12x1x128xf32> to vector<12x128xf32>
    %swap3A_275 = vector.shape_cast %slice3A_269 : vector<12x128xf32> to vector<12x1x128xf32>
    tpu.vector_store %arg3[%swap3A_270, %swap3A_271, %swap3A_272], %swap3A_275 {strides = array<i32>} : memref<12x128x128xf32, #tpu.memory_space<vmem>>, vector<12x1x128xf32>,
    %slice3A_276 = vector.extract_strided_slice %concatenate3A {offsets = [0, 88], sizes = [12, 128], strides = [1, 1]} : vector<12x256xf32> to vector<12x128xf32>
    %swap3A_277 = arith.constant 0 : index
    %swap3A_278 = arith.constant 39 : index
    %swap3A_279 = arith.constant 0 : index
    %swap3A_280 = vector.load %arg3[%swap3A_277, %swap3A_278, %swap3A_279] : memref<12x128x128xf32, #tpu.memory_space<vmem>>, vector<12x1x128xf32>
    %swap3A_281 = vector.shape_cast %swap3A_280 : vector<12x1x128xf32> to vector<12x128xf32>
    %swap3A_282 = vector.shape_cast %slice3A_276 : vector<12x128xf32> to vector<12x1x128xf32>
    tpu.vector_store %arg3[%swap3A_277, %swap3A_278, %swap3A_279], %swap3A_282 {strides = array<i32>} : memref<12x128x128xf32, #tpu.memory_space<vmem>>, vector<12x1x128xf32>,
    %slice3A_283 = vector.extract_strided_slice %concatenate3A {offsets = [0, 87], sizes = [12, 128], strides = [1, 1]} : vector<12x256xf32> to vector<12x128xf32>
    %swap3A_284 = arith.constant 0 : index
    %swap3A_285 = arith.constant 40 : index
    %swap3A_286 = arith.constant 0 : index
    %swap3A_287 = vector.load %arg3[%swap3A_284, %swap3A_285, %swap3A_286] : memref<12x128x128xf32, #tpu.memory_space<vmem>>, vector<12x1x128xf32>
    %swap3A_288 = vector.shape_cast %swap3A_287 : vector<12x1x128xf32> to vector<12x128xf32>
    %swap3A_289 = vector.shape_cast %slice3A_283 : vector<12x128xf32> to vector<12x1x128xf32>
    tpu.vector_store %arg3[%swap3A_284, %swap3A_285, %swap3A_286], %swap3A_289 {strides = array<i32>} : memref<12x128x128xf32, #tpu.memory_space<vmem>>, vector<12x1x128xf32>,
    %slice3A_290 = vector.extract_strided_slice %concatenate3A {offsets = [0, 86], sizes = [12, 128], strides = [1, 1]} : vector<12x256xf32> to vector<12x128xf32>
    %swap3A_291 = arith.constant 0 : index
    %swap3A_292 = arith.constant 41 : index
    %swap3A_293 = arith.constant 0 : index
    %swap3A_294 = vector.load %arg3[%swap3A_291, %swap3A_292, %swap3A_293] : memref<12x128x128xf32, #tpu.memory_space<vmem>>, vector<12x1x128xf32>
    %swap3A_295 = vector.shape_cast %swap3A_294 : vector<12x1x128xf32> to vector<12x128xf32>
    %swap3A_296 = vector.shape_cast %slice3A_290 : vector<12x128xf32> to vector<12x1x128xf32>
    tpu.vector_store %arg3[%swap3A_291, %swap3A_292, %swap3A_293], %swap3A_296 {strides = array<i32>} : memref<12x128x128xf32, #tpu.memory_space<vmem>>, vector<12x1x128xf32>,
    %slice3A_297 = vector.extract_strided_slice %concatenate3A {offsets = [0, 85], sizes = [12, 128], strides = [1, 1]} : vector<12x256xf32> to vector<12x128xf32>
    %swap3A_298 = arith.constant 0 : index
    %swap3A_299 = arith.constant 42 : index
    %swap3A_300 = arith.constant 0 : index
    %swap3A_301 = vector.load %arg3[%swap3A_298, %swap3A_299, %swap3A_300] : memref<12x128x128xf32, #tpu.memory_space<vmem>>, vector<12x1x128xf32>
    %swap3A_302 = vector.shape_cast %swap3A_301 : vector<12x1x128xf32> to vector<12x128xf32>
    %swap3A_303 = vector.shape_cast %slice3A_297 : vector<12x128xf32> to vector<12x1x128xf32>
    tpu.vector_store %arg3[%swap3A_298, %swap3A_299, %swap3A_300], %swap3A_303 {strides = array<i32>} : memref<12x128x128xf32, #tpu.memory_space<vmem>>, vector<12x1x128xf32>,
    %slice3A_304 = vector.extract_strided_slice %concatenate3A {offsets = [0, 84], sizes = [12, 128], strides = [1, 1]} : vector<12x256xf32> to vector<12x128xf32>
    %swap3A_305 = arith.constant 0 : index
    %swap3A_306 = arith.constant 43 : index
    %swap3A_307 = arith.constant 0 : index
    %swap3A_308 = vector.load %arg3[%swap3A_305, %swap3A_306, %swap3A_307] : memref<12x128x128xf32, #tpu.memory_space<vmem>>, vector<12x1x128xf32>
    %swap3A_309 = vector.shape_cast %swap3A_308 : vector<12x1x128xf32> to vector<12x128xf32>
    %swap3A_310 = vector.shape_cast %slice3A_304 : vector<12x128xf32> to vector<12x1x128xf32>
    tpu.vector_store %arg3[%swap3A_305, %swap3A_306, %swap3A_307], %swap3A_310 {strides = array<i32>} : memref<12x128x128xf32, #tpu.memory_space<vmem>>, vector<12x1x128xf32>,
    %slice3A_311 = vector.extract_strided_slice %concatenate3A {offsets = [0, 83], sizes = [12, 128], strides = [1, 1]} : vector<12x256xf32> to vector<12x128xf32>
    %swap3A_312 = arith.constant 0 : index
    %swap3A_313 = arith.constant 44 : index
    %swap3A_314 = arith.constant 0 : index
    %swap3A_315 = vector.load %arg3[%swap3A_312, %swap3A_313, %swap3A_314] : memref<12x128x128xf32, #tpu.memory_space<vmem>>, vector<12x1x128xf32>
    %swap3A_316 = vector.shape_cast %swap3A_315 : vector<12x1x128xf32> to vector<12x128xf32>
    %swap3A_317 = vector.shape_cast %slice3A_311 : vector<12x128xf32> to vector<12x1x128xf32>
    tpu.vector_store %arg3[%swap3A_312, %swap3A_313, %swap3A_314], %swap3A_317 {strides = array<i32>} : memref<12x128x128xf32, #tpu.memory_space<vmem>>, vector<12x1x128xf32>,
    %slice3A_318 = vector.extract_strided_slice %concatenate3A {offsets = [0, 82], sizes = [12, 128], strides = [1, 1]} : vector<12x256xf32> to vector<12x128xf32>
    %swap3A_319 = arith.constant 0 : index
    %swap3A_320 = arith.constant 45 : index
    %swap3A_321 = arith.constant 0 : index
    %swap3A_322 = vector.load %arg3[%swap3A_319, %swap3A_320, %swap3A_321] : memref<12x128x128xf32, #tpu.memory_space<vmem>>, vector<12x1x128xf32>
    %swap3A_323 = vector.shape_cast %swap3A_322 : vector<12x1x128xf32> to vector<12x128xf32>
    %swap3A_324 = vector.shape_cast %slice3A_318 : vector<12x128xf32> to vector<12x1x128xf32>
    tpu.vector_store %arg3[%swap3A_319, %swap3A_320, %swap3A_321], %swap3A_324 {strides = array<i32>} : memref<12x128x128xf32, #tpu.memory_space<vmem>>, vector<12x1x128xf32>,
    %slice3A_325 = vector.extract_strided_slice %concatenate3A {offsets = [0, 81], sizes = [12, 128], strides = [1, 1]} : vector<12x256xf32> to vector<12x128xf32>
    %swap3A_326 = arith.constant 0 : index
    %swap3A_327 = arith.constant 46 : index
    %swap3A_328 = arith.constant 0 : index
    %swap3A_329 = vector.load %arg3[%swap3A_326, %swap3A_327, %swap3A_328] : memref<12x128x128xf32, #tpu.memory_space<vmem>>, vector<12x1x128xf32>
    %swap3A_330 = vector.shape_cast %swap3A_329 : vector<12x1x128xf32> to vector<12x128xf32>
    %swap3A_331 = vector.shape_cast %slice3A_325 : vector<12x128xf32> to vector<12x1x128xf32>
    tpu.vector_store %arg3[%swap3A_326, %swap3A_327, %swap3A_328], %swap3A_331 {strides = array<i32>} : memref<12x128x128xf32, #tpu.memory_space<vmem>>, vector<12x1x128xf32>,
    %slice3A_332 = vector.extract_strided_slice %concatenate3A {offsets = [0, 80], sizes = [12, 128], strides = [1, 1]} : vector<12x256xf32> to vector<12x128xf32>
    %swap3A_333 = arith.constant 0 : index
    %swap3A_334 = arith.constant 47 : index
    %swap3A_335 = arith.constant 0 : index
    %swap3A_336 = vector.load %arg3[%swap3A_333, %swap3A_334, %swap3A_335] : memref<12x128x128xf32, #tpu.memory_space<vmem>>, vector<12x1x128xf32>
    %swap3A_337 = vector.shape_cast %swap3A_336 : vector<12x1x128xf32> to vector<12x128xf32>
    %swap3A_338 = vector.shape_cast %slice3A_332 : vector<12x128xf32> to vector<12x1x128xf32>
    tpu.vector_store %arg3[%swap3A_333, %swap3A_334, %swap3A_335], %swap3A_338 {strides = array<i32>} : memref<12x128x128xf32, #tpu.memory_space<vmem>>, vector<12x1x128xf32>,
    %slice3A_339 = vector.extract_strided_slice %concatenate3A {offsets = [0, 79], sizes = [12, 128], strides = [1, 1]} : vector<12x256xf32> to vector<12x128xf32>
    %swap3A_340 = arith.constant 0 : index
    %swap3A_341 = arith.constant 48 : index
    %swap3A_342 = arith.constant 0 : index
    %swap3A_343 = vector.load %arg3[%swap3A_340, %swap3A_341, %swap3A_342] : memref<12x128x128xf32, #tpu.memory_space<vmem>>, vector<12x1x128xf32>
    %swap3A_344 = vector.shape_cast %swap3A_343 : vector<12x1x128xf32> to vector<12x128xf32>
    %swap3A_345 = vector.shape_cast %slice3A_339 : vector<12x128xf32> to vector<12x1x128xf32>
    tpu.vector_store %arg3[%swap3A_340, %swap3A_341, %swap3A_342], %swap3A_345 {strides = array<i32>} : memref<12x128x128xf32, #tpu.memory_space<vmem>>, vector<12x1x128xf32>,
    %slice3A_346 = vector.extract_strided_slice %concatenate3A {offsets = [0, 78], sizes = [12, 128], strides = [1, 1]} : vector<12x256xf32> to vector<12x128xf32>
    %swap3A_347 = arith.constant 0 : index
    %swap3A_348 = arith.constant 49 : index
    %swap3A_349 = arith.constant 0 : index
    %swap3A_350 = vector.load %arg3[%swap3A_347, %swap3A_348, %swap3A_349] : memref<12x128x128xf32, #tpu.memory_space<vmem>>, vector<12x1x128xf32>
    %swap3A_351 = vector.shape_cast %swap3A_350 : vector<12x1x128xf32> to vector<12x128xf32>
    %swap3A_352 = vector.shape_cast %slice3A_346 : vector<12x128xf32> to vector<12x1x128xf32>
    tpu.vector_store %arg3[%swap3A_347, %swap3A_348, %swap3A_349], %swap3A_352 {strides = array<i32>} : memref<12x128x128xf32, #tpu.memory_space<vmem>>, vector<12x1x128xf32>,
    %slice3A_353 = vector.extract_strided_slice %concatenate3A {offsets = [0, 77], sizes = [12, 128], strides = [1, 1]} : vector<12x256xf32> to vector<12x128xf32>
    %swap3A_354 = arith.constant 0 : index
    %swap3A_355 = arith.constant 50 : index
    %swap3A_356 = arith.constant 0 : index
    %swap3A_357 = vector.load %arg3[%swap3A_354, %swap3A_355, %swap3A_356] : memref<12x128x128xf32, #tpu.memory_space<vmem>>, vector<12x1x128xf32>
    %swap3A_358 = vector.shape_cast %swap3A_357 : vector<12x1x128xf32> to vector<12x128xf32>
    %swap3A_359 = vector.shape_cast %slice3A_353 : vector<12x128xf32> to vector<12x1x128xf32>
    tpu.vector_store %arg3[%swap3A_354, %swap3A_355, %swap3A_356], %swap3A_359 {strides = array<i32>} : memref<12x128x128xf32, #tpu.memory_space<vmem>>, vector<12x1x128xf32>,
    %slice3A_360 = vector.extract_strided_slice %concatenate3A {offsets = [0, 76], sizes = [12, 128], strides = [1, 1]} : vector<12x256xf32> to vector<12x128xf32>
    %swap3A_361 = arith.constant 0 : index
    %swap3A_362 = arith.constant 51 : index
    %swap3A_363 = arith.constant 0 : index
    %swap3A_364 = vector.load %arg3[%swap3A_361, %swap3A_362, %swap3A_363] : memref<12x128x128xf32, #tpu.memory_space<vmem>>, vector<12x1x128xf32>
    %swap3A_365 = vector.shape_cast %swap3A_364 : vector<12x1x128xf32> to vector<12x128xf32>
    %swap3A_366 = vector.shape_cast %slice3A_360 : vector<12x128xf32> to vector<12x1x128xf32>
    tpu.vector_store %arg3[%swap3A_361, %swap3A_362, %swap3A_363], %swap3A_366 {strides = array<i32>} : memref<12x128x128xf32, #tpu.memory_space<vmem>>, vector<12x1x128xf32>,
    %slice3A_367 = vector.extract_strided_slice %concatenate3A {offsets = [0, 75], sizes = [12, 128], strides = [1, 1]} : vector<12x256xf32> to vector<12x128xf32>
    %swap3A_368 = arith.constant 0 : index
    %swap3A_369 = arith.constant 52 : index
    %swap3A_370 = arith.constant 0 : index
    %swap3A_371 = vector.load %arg3[%swap3A_368, %swap3A_369, %swap3A_370] : memref<12x128x128xf32, #tpu.memory_space<vmem>>, vector<12x1x128xf32>
    %swap3A_372 = vector.shape_cast %swap3A_371 : vector<12x1x128xf32> to vector<12x128xf32>
    %swap3A_373 = vector.shape_cast %slice3A_367 : vector<12x128xf32> to vector<12x1x128xf32>
    tpu.vector_store %arg3[%swap3A_368, %swap3A_369, %swap3A_370], %swap3A_373 {strides = array<i32>} : memref<12x128x128xf32, #tpu.memory_space<vmem>>, vector<12x1x128xf32>,
    %slice3A_374 = vector.extract_strided_slice %concatenate3A {offsets = [0, 74], sizes = [12, 128], strides = [1, 1]} : vector<12x256xf32> to vector<12x128xf32>
    %swap3A_375 = arith.constant 0 : index
    %swap3A_376 = arith.constant 53 : index
    %swap3A_377 = arith.constant 0 : index
    %swap3A_378 = vector.load %arg3[%swap3A_375, %swap3A_376, %swap3A_377] : memref<12x128x128xf32, #tpu.memory_space<vmem>>, vector<12x1x128xf32>
    %swap3A_379 = vector.shape_cast %swap3A_378 : vector<12x1x128xf32> to vector<12x128xf32>
    %swap3A_380 = vector.shape_cast %slice3A_374 : vector<12x128xf32> to vector<12x1x128xf32>
    tpu.vector_store %arg3[%swap3A_375, %swap3A_376, %swap3A_377], %swap3A_380 {strides = array<i32>} : memref<12x128x128xf32, #tpu.memory_space<vmem>>, vector<12x1x128xf32>,
    %slice3A_381 = vector.extract_strided_slice %concatenate3A {offsets = [0, 73], sizes = [12, 128], strides = [1, 1]} : vector<12x256xf32> to vector<12x128xf32>
    %swap3A_382 = arith.constant 0 : index
    %swap3A_383 = arith.constant 54 : index
    %swap3A_384 = arith.constant 0 : index
    %swap3A_385 = vector.load %arg3[%swap3A_382, %swap3A_383, %swap3A_384] : memref<12x128x128xf32, #tpu.memory_space<vmem>>, vector<12x1x128xf32>
    %swap3A_386 = vector.shape_cast %swap3A_385 : vector<12x1x128xf32> to vector<12x128xf32>
    %swap3A_387 = vector.shape_cast %slice3A_381 : vector<12x128xf32> to vector<12x1x128xf32>
    tpu.vector_store %arg3[%swap3A_382, %swap3A_383, %swap3A_384], %swap3A_387 {strides = array<i32>} : memref<12x128x128xf32, #tpu.memory_space<vmem>>, vector<12x1x128xf32>,
    %slice3A_388 = vector.extract_strided_slice %concatenate3A {offsets = [0, 72], sizes = [12, 128], strides = [1, 1]} : vector<12x256xf32> to vector<12x128xf32>
    %swap3A_389 = arith.constant 0 : index
    %swap3A_390 = arith.constant 55 : index
    %swap3A_391 = arith.constant 0 : index
    %swap3A_392 = vector.load %arg3[%swap3A_389, %swap3A_390, %swap3A_391] : memref<12x128x128xf32, #tpu.memory_space<vmem>>, vector<12x1x128xf32>
    %swap3A_393 = vector.shape_cast %swap3A_392 : vector<12x1x128xf32> to vector<12x128xf32>
    %swap3A_394 = vector.shape_cast %slice3A_388 : vector<12x128xf32> to vector<12x1x128xf32>
    tpu.vector_store %arg3[%swap3A_389, %swap3A_390, %swap3A_391], %swap3A_394 {strides = array<i32>} : memref<12x128x128xf32, #tpu.memory_space<vmem>>, vector<12x1x128xf32>,
    %slice3A_395 = vector.extract_strided_slice %concatenate3A {offsets = [0, 71], sizes = [12, 128], strides = [1, 1]} : vector<12x256xf32> to vector<12x128xf32>
    %swap3A_396 = arith.constant 0 : index
    %swap3A_397 = arith.constant 56 : index
    %swap3A_398 = arith.constant 0 : index
    %swap3A_399 = vector.load %arg3[%swap3A_396, %swap3A_397, %swap3A_398] : memref<12x128x128xf32, #tpu.memory_space<vmem>>, vector<12x1x128xf32>
    %swap3A_400 = vector.shape_cast %swap3A_399 : vector<12x1x128xf32> to vector<12x128xf32>
    %swap3A_401 = vector.shape_cast %slice3A_395 : vector<12x128xf32> to vector<12x1x128xf32>
    tpu.vector_store %arg3[%swap3A_396, %swap3A_397, %swap3A_398], %swap3A_401 {strides = array<i32>} : memref<12x128x128xf32, #tpu.memory_space<vmem>>, vector<12x1x128xf32>,
    %slice3A_402 = vector.extract_strided_slice %concatenate3A {offsets = [0, 70], sizes = [12, 128], strides = [1, 1]} : vector<12x256xf32> to vector<12x128xf32>
    %swap3A_403 = arith.constant 0 : index
    %swap3A_404 = arith.constant 57 : index
    %swap3A_405 = arith.constant 0 : index
    %swap3A_406 = vector.load %arg3[%swap3A_403, %swap3A_404, %swap3A_405] : memref<12x128x128xf32, #tpu.memory_space<vmem>>, vector<12x1x128xf32>
    %swap3A_407 = vector.shape_cast %swap3A_406 : vector<12x1x128xf32> to vector<12x128xf32>
    %swap3A_408 = vector.shape_cast %slice3A_402 : vector<12x128xf32> to vector<12x1x128xf32>
    tpu.vector_store %arg3[%swap3A_403, %swap3A_404, %swap3A_405], %swap3A_408 {strides = array<i32>} : memref<12x128x128xf32, #tpu.memory_space<vmem>>, vector<12x1x128xf32>,
    %slice3A_409 = vector.extract_strided_slice %concatenate3A {offsets = [0, 69], sizes = [12, 128], strides = [1, 1]} : vector<12x256xf32> to vector<12x128xf32>
    %swap3A_410 = arith.constant 0 : index
    %swap3A_411 = arith.constant 58 : index
    %swap3A_412 = arith.constant 0 : index
    %swap3A_413 = vector.load %arg3[%swap3A_410, %swap3A_411, %swap3A_412] : memref<12x128x128xf32, #tpu.memory_space<vmem>>, vector<12x1x128xf32>
    %swap3A_414 = vector.shape_cast %swap3A_413 : vector<12x1x128xf32> to vector<12x128xf32>
    %swap3A_415 = vector.shape_cast %slice3A_409 : vector<12x128xf32> to vector<12x1x128xf32>
    tpu.vector_store %arg3[%swap3A_410, %swap3A_411, %swap3A_412], %swap3A_415 {strides = array<i32>} : memref<12x128x128xf32, #tpu.memory_space<vmem>>, vector<12x1x128xf32>,
    %slice3A_416 = vector.extract_strided_slice %concatenate3A {offsets = [0, 68], sizes = [12, 128], strides = [1, 1]} : vector<12x256xf32> to vector<12x128xf32>
    %swap3A_417 = arith.constant 0 : index
    %swap3A_418 = arith.constant 59 : index
    %swap3A_419 = arith.constant 0 : index
    %swap3A_420 = vector.load %arg3[%swap3A_417, %swap3A_418, %swap3A_419] : memref<12x128x128xf32, #tpu.memory_space<vmem>>, vector<12x1x128xf32>
    %swap3A_421 = vector.shape_cast %swap3A_420 : vector<12x1x128xf32> to vector<12x128xf32>
    %swap3A_422 = vector.shape_cast %slice3A_416 : vector<12x128xf32> to vector<12x1x128xf32>
    tpu.vector_store %arg3[%swap3A_417, %swap3A_418, %swap3A_419], %swap3A_422 {strides = array<i32>} : memref<12x128x128xf32, #tpu.memory_space<vmem>>, vector<12x1x128xf32>,
    %slice3A_423 = vector.extract_strided_slice %concatenate3A {offsets = [0, 67], sizes = [12, 128], strides = [1, 1]} : vector<12x256xf32> to vector<12x128xf32>
    %swap3A_424 = arith.constant 0 : index
    %swap3A_425 = arith.constant 60 : index
    %swap3A_426 = arith.constant 0 : index
    %swap3A_427 = vector.load %arg3[%swap3A_424, %swap3A_425, %swap3A_426] : memref<12x128x128xf32, #tpu.memory_space<vmem>>, vector<12x1x128xf32>
    %swap3A_428 = vector.shape_cast %swap3A_427 : vector<12x1x128xf32> to vector<12x128xf32>
    %swap3A_429 = vector.shape_cast %slice3A_423 : vector<12x128xf32> to vector<12x1x128xf32>
    tpu.vector_store %arg3[%swap3A_424, %swap3A_425, %swap3A_426], %swap3A_429 {strides = array<i32>} : memref<12x128x128xf32, #tpu.memory_space<vmem>>, vector<12x1x128xf32>,
    %slice3A_430 = vector.extract_strided_slice %concatenate3A {offsets = [0, 66], sizes = [12, 128], strides = [1, 1]} : vector<12x256xf32> to vector<12x128xf32>
    %swap3A_431 = arith.constant 0 : index
    %swap3A_432 = arith.constant 61 : index
    %swap3A_433 = arith.constant 0 : index
    %swap3A_434 = vector.load %arg3[%swap3A_431, %swap3A_432, %swap3A_433] : memref<12x128x128xf32, #tpu.memory_space<vmem>>, vector<12x1x128xf32>
    %swap3A_435 = vector.shape_cast %swap3A_434 : vector<12x1x128xf32> to vector<12x128xf32>
    %swap3A_436 = vector.shape_cast %slice3A_430 : vector<12x128xf32> to vector<12x1x128xf32>
    tpu.vector_store %arg3[%swap3A_431, %swap3A_432, %swap3A_433], %swap3A_436 {strides = array<i32>} : memref<12x128x128xf32, #tpu.memory_space<vmem>>, vector<12x1x128xf32>,
    %slice3A_437 = vector.extract_strided_slice %concatenate3A {offsets = [0, 65], sizes = [12, 128], strides = [1, 1]} : vector<12x256xf32> to vector<12x128xf32>
    %swap3A_438 = arith.constant 0 : index
    %swap3A_439 = arith.constant 62 : index
    %swap3A_440 = arith.constant 0 : index
    %swap3A_441 = vector.load %arg3[%swap3A_438, %swap3A_439, %swap3A_440] : memref<12x128x128xf32, #tpu.memory_space<vmem>>, vector<12x1x128xf32>
    %swap3A_442 = vector.shape_cast %swap3A_441 : vector<12x1x128xf32> to vector<12x128xf32>
    %swap3A_443 = vector.shape_cast %slice3A_437 : vector<12x128xf32> to vector<12x1x128xf32>
    tpu.vector_store %arg3[%swap3A_438, %swap3A_439, %swap3A_440], %swap3A_443 {strides = array<i32>} : memref<12x128x128xf32, #tpu.memory_space<vmem>>, vector<12x1x128xf32>,
    %slice3A_444 = vector.extract_strided_slice %concatenate3A {offsets = [0, 64], sizes = [12, 128], strides = [1, 1]} : vector<12x256xf32> to vector<12x128xf32>
    %swap3A_445 = arith.constant 0 : index
    %swap3A_446 = arith.constant 63 : index
    %swap3A_447 = arith.constant 0 : index
    %swap3A_448 = vector.load %arg3[%swap3A_445, %swap3A_446, %swap3A_447] : memref<12x128x128xf32, #tpu.memory_space<vmem>>, vector<12x1x128xf32>
    %swap3A_449 = vector.shape_cast %swap3A_448 : vector<12x1x128xf32> to vector<12x128xf32>
    %swap3A_450 = vector.shape_cast %slice3A_444 : vector<12x128xf32> to vector<12x1x128xf32>
    tpu.vector_store %arg3[%swap3A_445, %swap3A_446, %swap3A_447], %swap3A_450 {strides = array<i32>} : memref<12x128x128xf32, #tpu.memory_space<vmem>>, vector<12x1x128xf32>,
    %slice3A_451 = vector.extract_strided_slice %concatenate3A {offsets = [0, 63], sizes = [12, 128], strides = [1, 1]} : vector<12x256xf32> to vector<12x128xf32>
    %swap3A_452 = arith.constant 0 : index
    %swap3A_453 = arith.constant 64 : index
    %swap3A_454 = arith.constant 0 : index
    %swap3A_455 = vector.load %arg3[%swap3A_452, %swap3A_453, %swap3A_454] : memref<12x128x128xf32, #tpu.memory_space<vmem>>, vector<12x1x128xf32>
    %swap3A_456 = vector.shape_cast %swap3A_455 : vector<12x1x128xf32> to vector<12x128xf32>
    %swap3A_457 = vector.shape_cast %slice3A_451 : vector<12x128xf32> to vector<12x1x128xf32>
    tpu.vector_store %arg3[%swap3A_452, %swap3A_453, %swap3A_454], %swap3A_457 {strides = array<i32>} : memref<12x128x128xf32, #tpu.memory_space<vmem>>, vector<12x1x128xf32>,
    %slice3A_458 = vector.extract_strided_slice %concatenate3A {offsets = [0, 62], sizes = [12, 128], strides = [1, 1]} : vector<12x256xf32> to vector<12x128xf32>
    %swap3A_459 = arith.constant 0 : index
    %swap3A_460 = arith.constant 65 : index
    %swap3A_461 = arith.constant 0 : index
    %swap3A_462 = vector.load %arg3[%swap3A_459, %swap3A_460, %swap3A_461] : memref<12x128x128xf32, #tpu.memory_space<vmem>>, vector<12x1x128xf32>
    %swap3A_463 = vector.shape_cast %swap3A_462 : vector<12x1x128xf32> to vector<12x128xf32>
    %swap3A_464 = vector.shape_cast %slice3A_458 : vector<12x128xf32> to vector<12x1x128xf32>
    tpu.vector_store %arg3[%swap3A_459, %swap3A_460, %swap3A_461], %swap3A_464 {strides = array<i32>} : memref<12x128x128xf32, #tpu.memory_space<vmem>>, vector<12x1x128xf32>,
    %slice3A_465 = vector.extract_strided_slice %concatenate3A {offsets = [0, 61], sizes = [12, 128], strides = [1, 1]} : vector<12x256xf32> to vector<12x128xf32>
    %swap3A_466 = arith.constant 0 : index
    %swap3A_467 = arith.constant 66 : index
    %swap3A_468 = arith.constant 0 : index
    %swap3A_469 = vector.load %arg3[%swap3A_466, %swap3A_467, %swap3A_468] : memref<12x128x128xf32, #tpu.memory_space<vmem>>, vector<12x1x128xf32>
    %swap3A_470 = vector.shape_cast %swap3A_469 : vector<12x1x128xf32> to vector<12x128xf32>
    %swap3A_471 = vector.shape_cast %slice3A_465 : vector<12x128xf32> to vector<12x1x128xf32>
    tpu.vector_store %arg3[%swap3A_466, %swap3A_467, %swap3A_468], %swap3A_471 {strides = array<i32>} : memref<12x128x128xf32, #tpu.memory_space<vmem>>, vector<12x1x128xf32>,
    %slice3A_472 = vector.extract_strided_slice %concatenate3A {offsets = [0, 60], sizes = [12, 128], strides = [1, 1]} : vector<12x256xf32> to vector<12x128xf32>
    %swap3A_473 = arith.constant 0 : index
    %swap3A_474 = arith.constant 67 : index
    %swap3A_475 = arith.constant 0 : index
    %swap3A_476 = vector.load %arg3[%swap3A_473, %swap3A_474, %swap3A_475] : memref<12x128x128xf32, #tpu.memory_space<vmem>>, vector<12x1x128xf32>
    %swap3A_477 = vector.shape_cast %swap3A_476 : vector<12x1x128xf32> to vector<12x128xf32>
    %swap3A_478 = vector.shape_cast %slice3A_472 : vector<12x128xf32> to vector<12x1x128xf32>
    tpu.vector_store %arg3[%swap3A_473, %swap3A_474, %swap3A_475], %swap3A_478 {strides = array<i32>} : memref<12x128x128xf32, #tpu.memory_space<vmem>>, vector<12x1x128xf32>,
    %slice3A_479 = vector.extract_strided_slice %concatenate3A {offsets = [0, 59], sizes = [12, 128], strides = [1, 1]} : vector<12x256xf32> to vector<12x128xf32>
    %swap3A_480 = arith.constant 0 : index
    %swap3A_481 = arith.constant 68 : index
    %swap3A_482 = arith.constant 0 : index
    %swap3A_483 = vector.load %arg3[%swap3A_480, %swap3A_481, %swap3A_482] : memref<12x128x128xf32, #tpu.memory_space<vmem>>, vector<12x1x128xf32>
    %swap3A_484 = vector.shape_cast %swap3A_483 : vector<12x1x128xf32> to vector<12x128xf32>
    %swap3A_485 = vector.shape_cast %slice3A_479 : vector<12x128xf32> to vector<12x1x128xf32>
    tpu.vector_store %arg3[%swap3A_480, %swap3A_481, %swap3A_482], %swap3A_485 {strides = array<i32>} : memref<12x128x128xf32, #tpu.memory_space<vmem>>, vector<12x1x128xf32>,
    %slice3A_486 = vector.extract_strided_slice %concatenate3A {offsets = [0, 58], sizes = [12, 128], strides = [1, 1]} : vector<12x256xf32> to vector<12x128xf32>
    %swap3A_487 = arith.constant 0 : index
    %swap3A_488 = arith.constant 69 : index
    %swap3A_489 = arith.constant 0 : index
    %swap3A_490 = vector.load %arg3[%swap3A_487, %swap3A_488, %swap3A_489] : memref<12x128x128xf32, #tpu.memory_space<vmem>>, vector<12x1x128xf32>
    %swap3A_491 = vector.shape_cast %swap3A_490 : vector<12x1x128xf32> to vector<12x128xf32>
    %swap3A_492 = vector.shape_cast %slice3A_486 : vector<12x128xf32> to vector<12x1x128xf32>
    tpu.vector_store %arg3[%swap3A_487, %swap3A_488, %swap3A_489], %swap3A_492 {strides = array<i32>} : memref<12x128x128xf32, #tpu.memory_space<vmem>>, vector<12x1x128xf32>,
    %slice3A_493 = vector.extract_strided_slice %concatenate3A {offsets = [0, 57], sizes = [12, 128], strides = [1, 1]} : vector<12x256xf32> to vector<12x128xf32>
    %swap3A_494 = arith.constant 0 : index
    %swap3A_495 = arith.constant 70 : index
    %swap3A_496 = arith.constant 0 : index
    %swap3A_497 = vector.load %arg3[%swap3A_494, %swap3A_495, %swap3A_496] : memref<12x128x128xf32, #tpu.memory_space<vmem>>, vector<12x1x128xf32>
    %swap3A_498 = vector.shape_cast %swap3A_497 : vector<12x1x128xf32> to vector<12x128xf32>
    %swap3A_499 = vector.shape_cast %slice3A_493 : vector<12x128xf32> to vector<12x1x128xf32>
    tpu.vector_store %arg3[%swap3A_494, %swap3A_495, %swap3A_496], %swap3A_499 {strides = array<i32>} : memref<12x128x128xf32, #tpu.memory_space<vmem>>, vector<12x1x128xf32>,
    %slice3A_500 = vector.extract_strided_slice %concatenate3A {offsets = [0, 56], sizes = [12, 128], strides = [1, 1]} : vector<12x256xf32> to vector<12x128xf32>
    %swap3A_501 = arith.constant 0 : index
    %swap3A_502 = arith.constant 71 : index
    %swap3A_503 = arith.constant 0 : index
    %swap3A_504 = vector.load %arg3[%swap3A_501, %swap3A_502, %swap3A_503] : memref<12x128x128xf32, #tpu.memory_space<vmem>>, vector<12x1x128xf32>
    %swap3A_505 = vector.shape_cast %swap3A_504 : vector<12x1x128xf32> to vector<12x128xf32>
    %swap3A_506 = vector.shape_cast %slice3A_500 : vector<12x128xf32> to vector<12x1x128xf32>
    tpu.vector_store %arg3[%swap3A_501, %swap3A_502, %swap3A_503], %swap3A_506 {strides = array<i32>} : memref<12x128x128xf32, #tpu.memory_space<vmem>>, vector<12x1x128xf32>,
    %slice3A_507 = vector.extract_strided_slice %concatenate3A {offsets = [0, 55], sizes = [12, 128], strides = [1, 1]} : vector<12x256xf32> to vector<12x128xf32>
    %swap3A_508 = arith.constant 0 : index
    %swap3A_509 = arith.constant 72 : index
    %swap3A_510 = arith.constant 0 : index
    %swap3A_511 = vector.load %arg3[%swap3A_508, %swap3A_509, %swap3A_510] : memref<12x128x128xf32, #tpu.memory_space<vmem>>, vector<12x1x128xf32>
    %swap3A_512 = vector.shape_cast %swap3A_511 : vector<12x1x128xf32> to vector<12x128xf32>
    %swap3A_513 = vector.shape_cast %slice3A_507 : vector<12x128xf32> to vector<12x1x128xf32>
    tpu.vector_store %arg3[%swap3A_508, %swap3A_509, %swap3A_510], %swap3A_513 {strides = array<i32>} : memref<12x128x128xf32, #tpu.memory_space<vmem>>, vector<12x1x128xf32>,
    %slice3A_514 = vector.extract_strided_slice %concatenate3A {offsets = [0, 54], sizes = [12, 128], strides = [1, 1]} : vector<12x256xf32> to vector<12x128xf32>
    %swap3A_515 = arith.constant 0 : index
    %swap3A_516 = arith.constant 73 : index
    %swap3A_517 = arith.constant 0 : index
    %swap3A_518 = vector.load %arg3[%swap3A_515, %swap3A_516, %swap3A_517] : memref<12x128x128xf32, #tpu.memory_space<vmem>>, vector<12x1x128xf32>
    %swap3A_519 = vector.shape_cast %swap3A_518 : vector<12x1x128xf32> to vector<12x128xf32>
    %swap3A_520 = vector.shape_cast %slice3A_514 : vector<12x128xf32> to vector<12x1x128xf32>
    tpu.vector_store %arg3[%swap3A_515, %swap3A_516, %swap3A_517], %swap3A_520 {strides = array<i32>} : memref<12x128x128xf32, #tpu.memory_space<vmem>>, vector<12x1x128xf32>,
    %slice3A_521 = vector.extract_strided_slice %concatenate3A {offsets = [0, 53], sizes = [12, 128], strides = [1, 1]} : vector<12x256xf32> to vector<12x128xf32>
    %swap3A_522 = arith.constant 0 : index
    %swap3A_523 = arith.constant 74 : index
    %swap3A_524 = arith.constant 0 : index
    %swap3A_525 = vector.load %arg3[%swap3A_522, %swap3A_523, %swap3A_524] : memref<12x128x128xf32, #tpu.memory_space<vmem>>, vector<12x1x128xf32>
    %swap3A_526 = vector.shape_cast %swap3A_525 : vector<12x1x128xf32> to vector<12x128xf32>
    %swap3A_527 = vector.shape_cast %slice3A_521 : vector<12x128xf32> to vector<12x1x128xf32>
    tpu.vector_store %arg3[%swap3A_522, %swap3A_523, %swap3A_524], %swap3A_527 {strides = array<i32>} : memref<12x128x128xf32, #tpu.memory_space<vmem>>, vector<12x1x128xf32>,
    %slice3A_528 = vector.extract_strided_slice %concatenate3A {offsets = [0, 52], sizes = [12, 128], strides = [1, 1]} : vector<12x256xf32> to vector<12x128xf32>
    %swap3A_529 = arith.constant 0 : index
    %swap3A_530 = arith.constant 75 : index
    %swap3A_531 = arith.constant 0 : index
    %swap3A_532 = vector.load %arg3[%swap3A_529, %swap3A_530, %swap3A_531] : memref<12x128x128xf32, #tpu.memory_space<vmem>>, vector<12x1x128xf32>
    %swap3A_533 = vector.shape_cast %swap3A_532 : vector<12x1x128xf32> to vector<12x128xf32>
    %swap3A_534 = vector.shape_cast %slice3A_528 : vector<12x128xf32> to vector<12x1x128xf32>
    tpu.vector_store %arg3[%swap3A_529, %swap3A_530, %swap3A_531], %swap3A_534 {strides = array<i32>} : memref<12x128x128xf32, #tpu.memory_space<vmem>>, vector<12x1x128xf32>,
    %slice3A_535 = vector.extract_strided_slice %concatenate3A {offsets = [0, 51], sizes = [12, 128], strides = [1, 1]} : vector<12x256xf32> to vector<12x128xf32>
    %swap3A_536 = arith.constant 0 : index
    %swap3A_537 = arith.constant 76 : index
    %swap3A_538 = arith.constant 0 : index
    %swap3A_539 = vector.load %arg3[%swap3A_536, %swap3A_537, %swap3A_538] : memref<12x128x128xf32, #tpu.memory_space<vmem>>, vector<12x1x128xf32>
    %swap3A_540 = vector.shape_cast %swap3A_539 : vector<12x1x128xf32> to vector<12x128xf32>
    %swap3A_541 = vector.shape_cast %slice3A_535 : vector<12x128xf32> to vector<12x1x128xf32>
    tpu.vector_store %arg3[%swap3A_536, %swap3A_537, %swap3A_538], %swap3A_541 {strides = array<i32>} : memref<12x128x128xf32, #tpu.memory_space<vmem>>, vector<12x1x128xf32>,
    %slice3A_542 = vector.extract_strided_slice %concatenate3A {offsets = [0, 50], sizes = [12, 128], strides = [1, 1]} : vector<12x256xf32> to vector<12x128xf32>
    %swap3A_543 = arith.constant 0 : index
    %swap3A_544 = arith.constant 77 : index
    %swap3A_545 = arith.constant 0 : index
    %swap3A_546 = vector.load %arg3[%swap3A_543, %swap3A_544, %swap3A_545] : memref<12x128x128xf32, #tpu.memory_space<vmem>>, vector<12x1x128xf32>
    %swap3A_547 = vector.shape_cast %swap3A_546 : vector<12x1x128xf32> to vector<12x128xf32>
    %swap3A_548 = vector.shape_cast %slice3A_542 : vector<12x128xf32> to vector<12x1x128xf32>
    tpu.vector_store %arg3[%swap3A_543, %swap3A_544, %swap3A_545], %swap3A_548 {strides = array<i32>} : memref<12x128x128xf32, #tpu.memory_space<vmem>>, vector<12x1x128xf32>,
    %slice3A_549 = vector.extract_strided_slice %concatenate3A {offsets = [0, 49], sizes = [12, 128], strides = [1, 1]} : vector<12x256xf32> to vector<12x128xf32>
    %swap3A_550 = arith.constant 0 : index
    %swap3A_551 = arith.constant 78 : index
    %swap3A_552 = arith.constant 0 : index
    %swap3A_553 = vector.load %arg3[%swap3A_550, %swap3A_551, %swap3A_552] : memref<12x128x128xf32, #tpu.memory_space<vmem>>, vector<12x1x128xf32>
    %swap3A_554 = vector.shape_cast %swap3A_553 : vector<12x1x128xf32> to vector<12x128xf32>
    %swap3A_555 = vector.shape_cast %slice3A_549 : vector<12x128xf32> to vector<12x1x128xf32>
    tpu.vector_store %arg3[%swap3A_550, %swap3A_551, %swap3A_552], %swap3A_555 {strides = array<i32>} : memref<12x128x128xf32, #tpu.memory_space<vmem>>, vector<12x1x128xf32>,
    %slice3A_556 = vector.extract_strided_slice %concatenate3A {offsets = [0, 48], sizes = [12, 128], strides = [1, 1]} : vector<12x256xf32> to vector<12x128xf32>
    %swap3A_557 = arith.constant 0 : index
    %swap3A_558 = arith.constant 79 : index
    %swap3A_559 = arith.constant 0 : index
    %swap3A_560 = vector.load %arg3[%swap3A_557, %swap3A_558, %swap3A_559] : memref<12x128x128xf32, #tpu.memory_space<vmem>>, vector<12x1x128xf32>
    %swap3A_561 = vector.shape_cast %swap3A_560 : vector<12x1x128xf32> to vector<12x128xf32>
    %swap3A_562 = vector.shape_cast %slice3A_556 : vector<12x128xf32> to vector<12x1x128xf32>
    tpu.vector_store %arg3[%swap3A_557, %swap3A_558, %swap3A_559], %swap3A_562 {strides = array<i32>} : memref<12x128x128xf32, #tpu.memory_space<vmem>>, vector<12x1x128xf32>,
    %slice3A_563 = vector.extract_strided_slice %concatenate3A {offsets = [0, 47], sizes = [12, 128], strides = [1, 1]} : vector<12x256xf32> to vector<12x128xf32>
    %swap3A_564 = arith.constant 0 : index
    %swap3A_565 = arith.constant 80 : index
    %swap3A_566 = arith.constant 0 : index
    %swap3A_567 = vector.load %arg3[%swap3A_564, %swap3A_565, %swap3A_566] : memref<12x128x128xf32, #tpu.memory_space<vmem>>, vector<12x1x128xf32>
    %swap3A_568 = vector.shape_cast %swap3A_567 : vector<12x1x128xf32> to vector<12x128xf32>
    %swap3A_569 = vector.shape_cast %slice3A_563 : vector<12x128xf32> to vector<12x1x128xf32>
    tpu.vector_store %arg3[%swap3A_564, %swap3A_565, %swap3A_566], %swap3A_569 {strides = array<i32>} : memref<12x128x128xf32, #tpu.memory_space<vmem>>, vector<12x1x128xf32>,
    %slice3A_570 = vector.extract_strided_slice %concatenate3A {offsets = [0, 46], sizes = [12, 128], strides = [1, 1]} : vector<12x256xf32> to vector<12x128xf32>
    %swap3A_571 = arith.constant 0 : index
    %swap3A_572 = arith.constant 81 : index
    %swap3A_573 = arith.constant 0 : index
    %swap3A_574 = vector.load %arg3[%swap3A_571, %swap3A_572, %swap3A_573] : memref<12x128x128xf32, #tpu.memory_space<vmem>>, vector<12x1x128xf32>
    %swap3A_575 = vector.shape_cast %swap3A_574 : vector<12x1x128xf32> to vector<12x128xf32>
    %swap3A_576 = vector.shape_cast %slice3A_570 : vector<12x128xf32> to vector<12x1x128xf32>
    tpu.vector_store %arg3[%swap3A_571, %swap3A_572, %swap3A_573], %swap3A_576 {strides = array<i32>} : memref<12x128x128xf32, #tpu.memory_space<vmem>>, vector<12x1x128xf32>,
    %slice3A_577 = vector.extract_strided_slice %concatenate3A {offsets = [0, 45], sizes = [12, 128], strides = [1, 1]} : vector<12x256xf32> to vector<12x128xf32>
    %swap3A_578 = arith.constant 0 : index
    %swap3A_579 = arith.constant 82 : index
    %swap3A_580 = arith.constant 0 : index
    %swap3A_581 = vector.load %arg3[%swap3A_578, %swap3A_579, %swap3A_580] : memref<12x128x128xf32, #tpu.memory_space<vmem>>, vector<12x1x128xf32>
    %swap3A_582 = vector.shape_cast %swap3A_581 : vector<12x1x128xf32> to vector<12x128xf32>
    %swap3A_583 = vector.shape_cast %slice3A_577 : vector<12x128xf32> to vector<12x1x128xf32>
    tpu.vector_store %arg3[%swap3A_578, %swap3A_579, %swap3A_580], %swap3A_583 {strides = array<i32>} : memref<12x128x128xf32, #tpu.memory_space<vmem>>, vector<12x1x128xf32>,
    %slice3A_584 = vector.extract_strided_slice %concatenate3A {offsets = [0, 44], sizes = [12, 128], strides = [1, 1]} : vector<12x256xf32> to vector<12x128xf32>
    %swap3A_585 = arith.constant 0 : index
    %swap3A_586 = arith.constant 83 : index
    %swap3A_587 = arith.constant 0 : index
    %swap3A_588 = vector.load %arg3[%swap3A_585, %swap3A_586, %swap3A_587] : memref<12x128x128xf32, #tpu.memory_space<vmem>>, vector<12x1x128xf32>
    %swap3A_589 = vector.shape_cast %swap3A_588 : vector<12x1x128xf32> to vector<12x128xf32>
    %swap3A_590 = vector.shape_cast %slice3A_584 : vector<12x128xf32> to vector<12x1x128xf32>
    tpu.vector_store %arg3[%swap3A_585, %swap3A_586, %swap3A_587], %swap3A_590 {strides = array<i32>} : memref<12x128x128xf32, #tpu.memory_space<vmem>>, vector<12x1x128xf32>,
    %slice3A_591 = vector.extract_strided_slice %concatenate3A {offsets = [0, 43], sizes = [12, 128], strides = [1, 1]} : vector<12x256xf32> to vector<12x128xf32>
    %swap3A_592 = arith.constant 0 : index
    %swap3A_593 = arith.constant 84 : index
    %swap3A_594 = arith.constant 0 : index
    %swap3A_595 = vector.load %arg3[%swap3A_592, %swap3A_593, %swap3A_594] : memref<12x128x128xf32, #tpu.memory_space<vmem>>, vector<12x1x128xf32>
    %swap3A_596 = vector.shape_cast %swap3A_595 : vector<12x1x128xf32> to vector<12x128xf32>
    %swap3A_597 = vector.shape_cast %slice3A_591 : vector<12x128xf32> to vector<12x1x128xf32>
    tpu.vector_store %arg3[%swap3A_592, %swap3A_593, %swap3A_594], %swap3A_597 {strides = array<i32>} : memref<12x128x128xf32, #tpu.memory_space<vmem>>, vector<12x1x128xf32>,
    %slice3A_598 = vector.extract_strided_slice %concatenate3A {offsets = [0, 42], sizes = [12, 128], strides = [1, 1]} : vector<12x256xf32> to vector<12x128xf32>
    %swap3A_599 = arith.constant 0 : index
    %swap3A_600 = arith.constant 85 : index
    %swap3A_601 = arith.constant 0 : index
    %swap3A_602 = vector.load %arg3[%swap3A_599, %swap3A_600, %swap3A_601] : memref<12x128x128xf32, #tpu.memory_space<vmem>>, vector<12x1x128xf32>
    %swap3A_603 = vector.shape_cast %swap3A_602 : vector<12x1x128xf32> to vector<12x128xf32>
    %swap3A_604 = vector.shape_cast %slice3A_598 : vector<12x128xf32> to vector<12x1x128xf32>
    tpu.vector_store %arg3[%swap3A_599, %swap3A_600, %swap3A_601], %swap3A_604 {strides = array<i32>} : memref<12x128x128xf32, #tpu.memory_space<vmem>>, vector<12x1x128xf32>,
    %slice3A_605 = vector.extract_strided_slice %concatenate3A {offsets = [0, 41], sizes = [12, 128], strides = [1, 1]} : vector<12x256xf32> to vector<12x128xf32>
    %swap3A_606 = arith.constant 0 : index
    %swap3A_607 = arith.constant 86 : index
    %swap3A_608 = arith.constant 0 : index
    %swap3A_609 = vector.load %arg3[%swap3A_606, %swap3A_607, %swap3A_608] : memref<12x128x128xf32, #tpu.memory_space<vmem>>, vector<12x1x128xf32>
    %swap3A_610 = vector.shape_cast %swap3A_609 : vector<12x1x128xf32> to vector<12x128xf32>
    %swap3A_611 = vector.shape_cast %slice3A_605 : vector<12x128xf32> to vector<12x1x128xf32>
    tpu.vector_store %arg3[%swap3A_606, %swap3A_607, %swap3A_608], %swap3A_611 {strides = array<i32>} : memref<12x128x128xf32, #tpu.memory_space<vmem>>, vector<12x1x128xf32>,
    %slice3A_612 = vector.extract_strided_slice %concatenate3A {offsets = [0, 40], sizes = [12, 128], strides = [1, 1]} : vector<12x256xf32> to vector<12x128xf32>
    %swap3A_613 = arith.constant 0 : index
    %swap3A_614 = arith.constant 87 : index
    %swap3A_615 = arith.constant 0 : index
    %swap3A_616 = vector.load %arg3[%swap3A_613, %swap3A_614, %swap3A_615] : memref<12x128x128xf32, #tpu.memory_space<vmem>>, vector<12x1x128xf32>
    %swap3A_617 = vector.shape_cast %swap3A_616 : vector<12x1x128xf32> to vector<12x128xf32>
    %swap3A_618 = vector.shape_cast %slice3A_612 : vector<12x128xf32> to vector<12x1x128xf32>
    tpu.vector_store %arg3[%swap3A_613, %swap3A_614, %swap3A_615], %swap3A_618 {strides = array<i32>} : memref<12x128x128xf32, #tpu.memory_space<vmem>>, vector<12x1x128xf32>,
    %slice3A_619 = vector.extract_strided_slice %concatenate3A {offsets = [0, 39], sizes = [12, 128], strides = [1, 1]} : vector<12x256xf32> to vector<12x128xf32>
    %swap3A_620 = arith.constant 0 : index
    %swap3A_621 = arith.constant 88 : index
    %swap3A_622 = arith.constant 0 : index
    %swap3A_623 = vector.load %arg3[%swap3A_620, %swap3A_621, %swap3A_622] : memref<12x128x128xf32, #tpu.memory_space<vmem>>, vector<12x1x128xf32>
    %swap3A_624 = vector.shape_cast %swap3A_623 : vector<12x1x128xf32> to vector<12x128xf32>
    %swap3A_625 = vector.shape_cast %slice3A_619 : vector<12x128xf32> to vector<12x1x128xf32>
    tpu.vector_store %arg3[%swap3A_620, %swap3A_621, %swap3A_622], %swap3A_625 {strides = array<i32>} : memref<12x128x128xf32, #tpu.memory_space<vmem>>, vector<12x1x128xf32>,
    %slice3A_626 = vector.extract_strided_slice %concatenate3A {offsets = [0, 38], sizes = [12, 128], strides = [1, 1]} : vector<12x256xf32> to vector<12x128xf32>
    %swap3A_627 = arith.constant 0 : index
    %swap3A_628 = arith.constant 89 : index
    %swap3A_629 = arith.constant 0 : index
    %swap3A_630 = vector.load %arg3[%swap3A_627, %swap3A_628, %swap3A_629] : memref<12x128x128xf32, #tpu.memory_space<vmem>>, vector<12x1x128xf32>
    %swap3A_631 = vector.shape_cast %swap3A_630 : vector<12x1x128xf32> to vector<12x128xf32>
    %swap3A_632 = vector.shape_cast %slice3A_626 : vector<12x128xf32> to vector<12x1x128xf32>
    tpu.vector_store %arg3[%swap3A_627, %swap3A_628, %swap3A_629], %swap3A_632 {strides = array<i32>} : memref<12x128x128xf32, #tpu.memory_space<vmem>>, vector<12x1x128xf32>,
    %slice3A_633 = vector.extract_strided_slice %concatenate3A {offsets = [0, 37], sizes = [12, 128], strides = [1, 1]} : vector<12x256xf32> to vector<12x128xf32>
    %swap3A_634 = arith.constant 0 : index
    %swap3A_635 = arith.constant 90 : index
    %swap3A_636 = arith.constant 0 : index
    %swap3A_637 = vector.load %arg3[%swap3A_634, %swap3A_635, %swap3A_636] : memref<12x128x128xf32, #tpu.memory_space<vmem>>, vector<12x1x128xf32>
    %swap3A_638 = vector.shape_cast %swap3A_637 : vector<12x1x128xf32> to vector<12x128xf32>
    %swap3A_639 = vector.shape_cast %slice3A_633 : vector<12x128xf32> to vector<12x1x128xf32>
    tpu.vector_store %arg3[%swap3A_634, %swap3A_635, %swap3A_636], %swap3A_639 {strides = array<i32>} : memref<12x128x128xf32, #tpu.memory_space<vmem>>, vector<12x1x128xf32>,
    %slice3A_640 = vector.extract_strided_slice %concatenate3A {offsets = [0, 36], sizes = [12, 128], strides = [1, 1]} : vector<12x256xf32> to vector<12x128xf32>
    %swap3A_641 = arith.constant 0 : index
    %swap3A_642 = arith.constant 91 : index
    %swap3A_643 = arith.constant 0 : index
    %swap3A_644 = vector.load %arg3[%swap3A_641, %swap3A_642, %swap3A_643] : memref<12x128x128xf32, #tpu.memory_space<vmem>>, vector<12x1x128xf32>
    %swap3A_645 = vector.shape_cast %swap3A_644 : vector<12x1x128xf32> to vector<12x128xf32>
    %swap3A_646 = vector.shape_cast %slice3A_640 : vector<12x128xf32> to vector<12x1x128xf32>
    tpu.vector_store %arg3[%swap3A_641, %swap3A_642, %swap3A_643], %swap3A_646 {strides = array<i32>} : memref<12x128x128xf32, #tpu.memory_space<vmem>>, vector<12x1x128xf32>,
    %slice3A_647 = vector.extract_strided_slice %concatenate3A {offsets = [0, 35], sizes = [12, 128], strides = [1, 1]} : vector<12x256xf32> to vector<12x128xf32>
    %swap3A_648 = arith.constant 0 : index
    %swap3A_649 = arith.constant 92 : index
    %swap3A_650 = arith.constant 0 : index
    %swap3A_651 = vector.load %arg3[%swap3A_648, %swap3A_649, %swap3A_650] : memref<12x128x128xf32, #tpu.memory_space<vmem>>, vector<12x1x128xf32>
    %swap3A_652 = vector.shape_cast %swap3A_651 : vector<12x1x128xf32> to vector<12x128xf32>
    %swap3A_653 = vector.shape_cast %slice3A_647 : vector<12x128xf32> to vector<12x1x128xf32>
    tpu.vector_store %arg3[%swap3A_648, %swap3A_649, %swap3A_650], %swap3A_653 {strides = array<i32>} : memref<12x128x128xf32, #tpu.memory_space<vmem>>, vector<12x1x128xf32>,
    %slice3A_654 = vector.extract_strided_slice %concatenate3A {offsets = [0, 34], sizes = [12, 128], strides = [1, 1]} : vector<12x256xf32> to vector<12x128xf32>
    %swap3A_655 = arith.constant 0 : index
    %swap3A_656 = arith.constant 93 : index
    %swap3A_657 = arith.constant 0 : index
    %swap3A_658 = vector.load %arg3[%swap3A_655, %swap3A_656, %swap3A_657] : memref<12x128x128xf32, #tpu.memory_space<vmem>>, vector<12x1x128xf32>
    %swap3A_659 = vector.shape_cast %swap3A_658 : vector<12x1x128xf32> to vector<12x128xf32>
    %swap3A_660 = vector.shape_cast %slice3A_654 : vector<12x128xf32> to vector<12x1x128xf32>
    tpu.vector_store %arg3[%swap3A_655, %swap3A_656, %swap3A_657], %swap3A_660 {strides = array<i32>} : memref<12x128x128xf32, #tpu.memory_space<vmem>>, vector<12x1x128xf32>,
    %slice3A_661 = vector.extract_strided_slice %concatenate3A {offsets = [0, 33], sizes = [12, 128], strides = [1, 1]} : vector<12x256xf32> to vector<12x128xf32>
    %swap3A_662 = arith.constant 0 : index
    %swap3A_663 = arith.constant 94 : index
    %swap3A_664 = arith.constant 0 : index
    %swap3A_665 = vector.load %arg3[%swap3A_662, %swap3A_663, %swap3A_664] : memref<12x128x128xf32, #tpu.memory_space<vmem>>, vector<12x1x128xf32>
    %swap3A_666 = vector.shape_cast %swap3A_665 : vector<12x1x128xf32> to vector<12x128xf32>
    %swap3A_667 = vector.shape_cast %slice3A_661 : vector<12x128xf32> to vector<12x1x128xf32>
    tpu.vector_store %arg3[%swap3A_662, %swap3A_663, %swap3A_664], %swap3A_667 {strides = array<i32>} : memref<12x128x128xf32, #tpu.memory_space<vmem>>, vector<12x1x128xf32>,
    %slice3A_668 = vector.extract_strided_slice %concatenate3A {offsets = [0, 32], sizes = [12, 128], strides = [1, 1]} : vector<12x256xf32> to vector<12x128xf32>
    %swap3A_669 = arith.constant 0 : index
    %swap3A_670 = arith.constant 95 : index
    %swap3A_671 = arith.constant 0 : index
    %swap3A_672 = vector.load %arg3[%swap3A_669, %swap3A_670, %swap3A_671] : memref<12x128x128xf32, #tpu.memory_space<vmem>>, vector<12x1x128xf32>
    %swap3A_673 = vector.shape_cast %swap3A_672 : vector<12x1x128xf32> to vector<12x128xf32>
    %swap3A_674 = vector.shape_cast %slice3A_668 : vector<12x128xf32> to vector<12x1x128xf32>
    tpu.vector_store %arg3[%swap3A_669, %swap3A_670, %swap3A_671], %swap3A_674 {strides = array<i32>} : memref<12x128x128xf32, #tpu.memory_space<vmem>>, vector<12x1x128xf32>,
    %slice3A_675 = vector.extract_strided_slice %concatenate3A {offsets = [0, 31], sizes = [12, 128], strides = [1, 1]} : vector<12x256xf32> to vector<12x128xf32>
    %swap3A_676 = arith.constant 0 : index
    %swap3A_677 = arith.constant 96 : index
    %swap3A_678 = arith.constant 0 : index
    %swap3A_679 = vector.load %arg3[%swap3A_676, %swap3A_677, %swap3A_678] : memref<12x128x128xf32, #tpu.memory_space<vmem>>, vector<12x1x128xf32>
    %swap3A_680 = vector.shape_cast %swap3A_679 : vector<12x1x128xf32> to vector<12x128xf32>
    %swap3A_681 = vector.shape_cast %slice3A_675 : vector<12x128xf32> to vector<12x1x128xf32>
    tpu.vector_store %arg3[%swap3A_676, %swap3A_677, %swap3A_678], %swap3A_681 {strides = array<i32>} : memref<12x128x128xf32, #tpu.memory_space<vmem>>, vector<12x1x128xf32>,
    %slice3A_682 = vector.extract_strided_slice %concatenate3A {offsets = [0, 30], sizes = [12, 128], strides = [1, 1]} : vector<12x256xf32> to vector<12x128xf32>
    %swap3A_683 = arith.constant 0 : index
    %swap3A_684 = arith.constant 97 : index
    %swap3A_685 = arith.constant 0 : index
    %swap3A_686 = vector.load %arg3[%swap3A_683, %swap3A_684, %swap3A_685] : memref<12x128x128xf32, #tpu.memory_space<vmem>>, vector<12x1x128xf32>
    %swap3A_687 = vector.shape_cast %swap3A_686 : vector<12x1x128xf32> to vector<12x128xf32>
    %swap3A_688 = vector.shape_cast %slice3A_682 : vector<12x128xf32> to vector<12x1x128xf32>
    tpu.vector_store %arg3[%swap3A_683, %swap3A_684, %swap3A_685], %swap3A_688 {strides = array<i32>} : memref<12x128x128xf32, #tpu.memory_space<vmem>>, vector<12x1x128xf32>,
    %slice3A_689 = vector.extract_strided_slice %concatenate3A {offsets = [0, 29], sizes = [12, 128], strides = [1, 1]} : vector<12x256xf32> to vector<12x128xf32>
    %swap3A_690 = arith.constant 0 : index
    %swap3A_691 = arith.constant 98 : index
    %swap3A_692 = arith.constant 0 : index
    %swap3A_693 = vector.load %arg3[%swap3A_690, %swap3A_691, %swap3A_692] : memref<12x128x128xf32, #tpu.memory_space<vmem>>, vector<12x1x128xf32>
    %swap3A_694 = vector.shape_cast %swap3A_693 : vector<12x1x128xf32> to vector<12x128xf32>
    %swap3A_695 = vector.shape_cast %slice3A_689 : vector<12x128xf32> to vector<12x1x128xf32>
    tpu.vector_store %arg3[%swap3A_690, %swap3A_691, %swap3A_692], %swap3A_695 {strides = array<i32>} : memref<12x128x128xf32, #tpu.memory_space<vmem>>, vector<12x1x128xf32>,
    %slice3A_696 = vector.extract_strided_slice %concatenate3A {offsets = [0, 28], sizes = [12, 128], strides = [1, 1]} : vector<12x256xf32> to vector<12x128xf32>
    %swap3A_697 = arith.constant 0 : index
    %swap3A_698 = arith.constant 99 : index
    %swap3A_699 = arith.constant 0 : index
    %swap3A_700 = vector.load %arg3[%swap3A_697, %swap3A_698, %swap3A_699] : memref<12x128x128xf32, #tpu.memory_space<vmem>>, vector<12x1x128xf32>
    %swap3A_701 = vector.shape_cast %swap3A_700 : vector<12x1x128xf32> to vector<12x128xf32>
    %swap3A_702 = vector.shape_cast %slice3A_696 : vector<12x128xf32> to vector<12x1x128xf32>
    tpu.vector_store %arg3[%swap3A_697, %swap3A_698, %swap3A_699], %swap3A_702 {strides = array<i32>} : memref<12x128x128xf32, #tpu.memory_space<vmem>>, vector<12x1x128xf32>,
    %slice3A_703 = vector.extract_strided_slice %concatenate3A {offsets = [0, 27], sizes = [12, 128], strides = [1, 1]} : vector<12x256xf32> to vector<12x128xf32>
    %swap3A_704 = arith.constant 0 : index
    %swap3A_705 = arith.constant 100 : index
    %swap3A_706 = arith.constant 0 : index
    %swap3A_707 = vector.load %arg3[%swap3A_704, %swap3A_705, %swap3A_706] : memref<12x128x128xf32, #tpu.memory_space<vmem>>, vector<12x1x128xf32>
    %swap3A_708 = vector.shape_cast %swap3A_707 : vector<12x1x128xf32> to vector<12x128xf32>
    %swap3A_709 = vector.shape_cast %slice3A_703 : vector<12x128xf32> to vector<12x1x128xf32>
    tpu.vector_store %arg3[%swap3A_704, %swap3A_705, %swap3A_706], %swap3A_709 {strides = array<i32>} : memref<12x128x128xf32, #tpu.memory_space<vmem>>, vector<12x1x128xf32>,
    %slice3A_710 = vector.extract_strided_slice %concatenate3A {offsets = [0, 26], sizes = [12, 128], strides = [1, 1]} : vector<12x256xf32> to vector<12x128xf32>
    %swap3A_711 = arith.constant 0 : index
    %swap3A_712 = arith.constant 101 : index
    %swap3A_713 = arith.constant 0 : index
    %swap3A_714 = vector.load %arg3[%swap3A_711, %swap3A_712, %swap3A_713] : memref<12x128x128xf32, #tpu.memory_space<vmem>>, vector<12x1x128xf32>
    %swap3A_715 = vector.shape_cast %swap3A_714 : vector<12x1x128xf32> to vector<12x128xf32>
    %swap3A_716 = vector.shape_cast %slice3A_710 : vector<12x128xf32> to vector<12x1x128xf32>
    tpu.vector_store %arg3[%swap3A_711, %swap3A_712, %swap3A_713], %swap3A_716 {strides = array<i32>} : memref<12x128x128xf32, #tpu.memory_space<vmem>>, vector<12x1x128xf32>,
    %slice3A_717 = vector.extract_strided_slice %concatenate3A {offsets = [0, 25], sizes = [12, 128], strides = [1, 1]} : vector<12x256xf32> to vector<12x128xf32>
    %swap3A_718 = arith.constant 0 : index
    %swap3A_719 = arith.constant 102 : index
    %swap3A_720 = arith.constant 0 : index
    %swap3A_721 = vector.load %arg3[%swap3A_718, %swap3A_719, %swap3A_720] : memref<12x128x128xf32, #tpu.memory_space<vmem>>, vector<12x1x128xf32>
    %swap3A_722 = vector.shape_cast %swap3A_721 : vector<12x1x128xf32> to vector<12x128xf32>
    %swap3A_723 = vector.shape_cast %slice3A_717 : vector<12x128xf32> to vector<12x1x128xf32>
    tpu.vector_store %arg3[%swap3A_718, %swap3A_719, %swap3A_720], %swap3A_723 {strides = array<i32>} : memref<12x128x128xf32, #tpu.memory_space<vmem>>, vector<12x1x128xf32>,
    %slice3A_724 = vector.extract_strided_slice %concatenate3A {offsets = [0, 24], sizes = [12, 128], strides = [1, 1]} : vector<12x256xf32> to vector<12x128xf32>
    %swap3A_725 = arith.constant 0 : index
    %swap3A_726 = arith.constant 103 : index
    %swap3A_727 = arith.constant 0 : index
    %swap3A_728 = vector.load %arg3[%swap3A_725, %swap3A_726, %swap3A_727] : memref<12x128x128xf32, #tpu.memory_space<vmem>>, vector<12x1x128xf32>
    %swap3A_729 = vector.shape_cast %swap3A_728 : vector<12x1x128xf32> to vector<12x128xf32>
    %swap3A_730 = vector.shape_cast %slice3A_724 : vector<12x128xf32> to vector<12x1x128xf32>
    tpu.vector_store %arg3[%swap3A_725, %swap3A_726, %swap3A_727], %swap3A_730 {strides = array<i32>} : memref<12x128x128xf32, #tpu.memory_space<vmem>>, vector<12x1x128xf32>,
    %slice3A_731 = vector.extract_strided_slice %concatenate3A {offsets = [0, 23], sizes = [12, 128], strides = [1, 1]} : vector<12x256xf32> to vector<12x128xf32>
    %swap3A_732 = arith.constant 0 : index
    %swap3A_733 = arith.constant 104 : index
    %swap3A_734 = arith.constant 0 : index
    %swap3A_735 = vector.load %arg3[%swap3A_732, %swap3A_733, %swap3A_734] : memref<12x128x128xf32, #tpu.memory_space<vmem>>, vector<12x1x128xf32>
    %swap3A_736 = vector.shape_cast %swap3A_735 : vector<12x1x128xf32> to vector<12x128xf32>
    %swap3A_737 = vector.shape_cast %slice3A_731 : vector<12x128xf32> to vector<12x1x128xf32>
    tpu.vector_store %arg3[%swap3A_732, %swap3A_733, %swap3A_734], %swap3A_737 {strides = array<i32>} : memref<12x128x128xf32, #tpu.memory_space<vmem>>, vector<12x1x128xf32>,
    %slice3A_738 = vector.extract_strided_slice %concatenate3A {offsets = [0, 22], sizes = [12, 128], strides = [1, 1]} : vector<12x256xf32> to vector<12x128xf32>
    %swap3A_739 = arith.constant 0 : index
    %swap3A_740 = arith.constant 105 : index
    %swap3A_741 = arith.constant 0 : index
    %swap3A_742 = vector.load %arg3[%swap3A_739, %swap3A_740, %swap3A_741] : memref<12x128x128xf32, #tpu.memory_space<vmem>>, vector<12x1x128xf32>
    %swap3A_743 = vector.shape_cast %swap3A_742 : vector<12x1x128xf32> to vector<12x128xf32>
    %swap3A_744 = vector.shape_cast %slice3A_738 : vector<12x128xf32> to vector<12x1x128xf32>
    tpu.vector_store %arg3[%swap3A_739, %swap3A_740, %swap3A_741], %swap3A_744 {strides = array<i32>} : memref<12x128x128xf32, #tpu.memory_space<vmem>>, vector<12x1x128xf32>,
    %slice3A_745 = vector.extract_strided_slice %concatenate3A {offsets = [0, 21], sizes = [12, 128], strides = [1, 1]} : vector<12x256xf32> to vector<12x128xf32>
    %swap3A_746 = arith.constant 0 : index
    %swap3A_747 = arith.constant 106 : index
    %swap3A_748 = arith.constant 0 : index
    %swap3A_749 = vector.load %arg3[%swap3A_746, %swap3A_747, %swap3A_748] : memref<12x128x128xf32, #tpu.memory_space<vmem>>, vector<12x1x128xf32>
    %swap3A_750 = vector.shape_cast %swap3A_749 : vector<12x1x128xf32> to vector<12x128xf32>
    %swap3A_751 = vector.shape_cast %slice3A_745 : vector<12x128xf32> to vector<12x1x128xf32>
    tpu.vector_store %arg3[%swap3A_746, %swap3A_747, %swap3A_748], %swap3A_751 {strides = array<i32>} : memref<12x128x128xf32, #tpu.memory_space<vmem>>, vector<12x1x128xf32>,
    %slice3A_752 = vector.extract_strided_slice %concatenate3A {offsets = [0, 20], sizes = [12, 128], strides = [1, 1]} : vector<12x256xf32> to vector<12x128xf32>
    %swap3A_753 = arith.constant 0 : index
    %swap3A_754 = arith.constant 107 : index
    %swap3A_755 = arith.constant 0 : index
    %swap3A_756 = vector.load %arg3[%swap3A_753, %swap3A_754, %swap3A_755] : memref<12x128x128xf32, #tpu.memory_space<vmem>>, vector<12x1x128xf32>
    %swap3A_757 = vector.shape_cast %swap3A_756 : vector<12x1x128xf32> to vector<12x128xf32>
    %swap3A_758 = vector.shape_cast %slice3A_752 : vector<12x128xf32> to vector<12x1x128xf32>
    tpu.vector_store %arg3[%swap3A_753, %swap3A_754, %swap3A_755], %swap3A_758 {strides = array<i32>} : memref<12x128x128xf32, #tpu.memory_space<vmem>>, vector<12x1x128xf32>,
    %slice3A_759 = vector.extract_strided_slice %concatenate3A {offsets = [0, 19], sizes = [12, 128], strides = [1, 1]} : vector<12x256xf32> to vector<12x128xf32>
    %swap3A_760 = arith.constant 0 : index
    %swap3A_761 = arith.constant 108 : index
    %swap3A_762 = arith.constant 0 : index
    %swap3A_763 = vector.load %arg3[%swap3A_760, %swap3A_761, %swap3A_762] : memref<12x128x128xf32, #tpu.memory_space<vmem>>, vector<12x1x128xf32>
    %swap3A_764 = vector.shape_cast %swap3A_763 : vector<12x1x128xf32> to vector<12x128xf32>
    %swap3A_765 = vector.shape_cast %slice3A_759 : vector<12x128xf32> to vector<12x1x128xf32>
    tpu.vector_store %arg3[%swap3A_760, %swap3A_761, %swap3A_762], %swap3A_765 {strides = array<i32>} : memref<12x128x128xf32, #tpu.memory_space<vmem>>, vector<12x1x128xf32>,
    %slice3A_766 = vector.extract_strided_slice %concatenate3A {offsets = [0, 18], sizes = [12, 128], strides = [1, 1]} : vector<12x256xf32> to vector<12x128xf32>
    %swap3A_767 = arith.constant 0 : index
    %swap3A_768 = arith.constant 109 : index
    %swap3A_769 = arith.constant 0 : index
    %swap3A_770 = vector.load %arg3[%swap3A_767, %swap3A_768, %swap3A_769] : memref<12x128x128xf32, #tpu.memory_space<vmem>>, vector<12x1x128xf32>
    %swap3A_771 = vector.shape_cast %swap3A_770 : vector<12x1x128xf32> to vector<12x128xf32>
    %swap3A_772 = vector.shape_cast %slice3A_766 : vector<12x128xf32> to vector<12x1x128xf32>
    tpu.vector_store %arg3[%swap3A_767, %swap3A_768, %swap3A_769], %swap3A_772 {strides = array<i32>} : memref<12x128x128xf32, #tpu.memory_space<vmem>>, vector<12x1x128xf32>,
    %slice3A_773 = vector.extract_strided_slice %concatenate3A {offsets = [0, 17], sizes = [12, 128], strides = [1, 1]} : vector<12x256xf32> to vector<12x128xf32>
    %swap3A_774 = arith.constant 0 : index
    %swap3A_775 = arith.constant 110 : index
    %swap3A_776 = arith.constant 0 : index
    %swap3A_777 = vector.load %arg3[%swap3A_774, %swap3A_775, %swap3A_776] : memref<12x128x128xf32, #tpu.memory_space<vmem>>, vector<12x1x128xf32>
    %swap3A_778 = vector.shape_cast %swap3A_777 : vector<12x1x128xf32> to vector<12x128xf32>
    %swap3A_779 = vector.shape_cast %slice3A_773 : vector<12x128xf32> to vector<12x1x128xf32>
    tpu.vector_store %arg3[%swap3A_774, %swap3A_775, %swap3A_776], %swap3A_779 {strides = array<i32>} : memref<12x128x128xf32, #tpu.memory_space<vmem>>, vector<12x1x128xf32>,
    %slice3A_780 = vector.extract_strided_slice %concatenate3A {offsets = [0, 16], sizes = [12, 128], strides = [1, 1]} : vector<12x256xf32> to vector<12x128xf32>
    %swap3A_781 = arith.constant 0 : index
    %swap3A_782 = arith.constant 111 : index
    %swap3A_783 = arith.constant 0 : index
    %swap3A_784 = vector.load %arg3[%swap3A_781, %swap3A_782, %swap3A_783] : memref<12x128x128xf32, #tpu.memory_space<vmem>>, vector<12x1x128xf32>
    %swap3A_785 = vector.shape_cast %swap3A_784 : vector<12x1x128xf32> to vector<12x128xf32>
    %swap3A_786 = vector.shape_cast %slice3A_780 : vector<12x128xf32> to vector<12x1x128xf32>
    tpu.vector_store %arg3[%swap3A_781, %swap3A_782, %swap3A_783], %swap3A_786 {strides = array<i32>} : memref<12x128x128xf32, #tpu.memory_space<vmem>>, vector<12x1x128xf32>,
    %slice3A_787 = vector.extract_strided_slice %concatenate3A {offsets = [0, 15], sizes = [12, 128], strides = [1, 1]} : vector<12x256xf32> to vector<12x128xf32>
    %swap3A_788 = arith.constant 0 : index
    %swap3A_789 = arith.constant 112 : index
    %swap3A_790 = arith.constant 0 : index
    %swap3A_791 = vector.load %arg3[%swap3A_788, %swap3A_789, %swap3A_790] : memref<12x128x128xf32, #tpu.memory_space<vmem>>, vector<12x1x128xf32>
    %swap3A_792 = vector.shape_cast %swap3A_791 : vector<12x1x128xf32> to vector<12x128xf32>
    %swap3A_793 = vector.shape_cast %slice3A_787 : vector<12x128xf32> to vector<12x1x128xf32>
    tpu.vector_store %arg3[%swap3A_788, %swap3A_789, %swap3A_790], %swap3A_793 {strides = array<i32>} : memref<12x128x128xf32, #tpu.memory_space<vmem>>, vector<12x1x128xf32>,
    %slice3A_794 = vector.extract_strided_slice %concatenate3A {offsets = [0, 14], sizes = [12, 128], strides = [1, 1]} : vector<12x256xf32> to vector<12x128xf32>
    %swap3A_795 = arith.constant 0 : index
    %swap3A_796 = arith.constant 113 : index
    %swap3A_797 = arith.constant 0 : index
    %swap3A_798 = vector.load %arg3[%swap3A_795, %swap3A_796, %swap3A_797] : memref<12x128x128xf32, #tpu.memory_space<vmem>>, vector<12x1x128xf32>
    %swap3A_799 = vector.shape_cast %swap3A_798 : vector<12x1x128xf32> to vector<12x128xf32>
    %swap3A_800 = vector.shape_cast %slice3A_794 : vector<12x128xf32> to vector<12x1x128xf32>
    tpu.vector_store %arg3[%swap3A_795, %swap3A_796, %swap3A_797], %swap3A_800 {strides = array<i32>} : memref<12x128x128xf32, #tpu.memory_space<vmem>>, vector<12x1x128xf32>,
    %slice3A_801 = vector.extract_strided_slice %concatenate3A {offsets = [0, 13], sizes = [12, 128], strides = [1, 1]} : vector<12x256xf32> to vector<12x128xf32>
    %swap3A_802 = arith.constant 0 : index
    %swap3A_803 = arith.constant 114 : index
    %swap3A_804 = arith.constant 0 : index
    %swap3A_805 = vector.load %arg3[%swap3A_802, %swap3A_803, %swap3A_804] : memref<12x128x128xf32, #tpu.memory_space<vmem>>, vector<12x1x128xf32>
    %swap3A_806 = vector.shape_cast %swap3A_805 : vector<12x1x128xf32> to vector<12x128xf32>
    %swap3A_807 = vector.shape_cast %slice3A_801 : vector<12x128xf32> to vector<12x1x128xf32>
    tpu.vector_store %arg3[%swap3A_802, %swap3A_803, %swap3A_804], %swap3A_807 {strides = array<i32>} : memref<12x128x128xf32, #tpu.memory_space<vmem>>, vector<12x1x128xf32>,
    %slice3A_808 = vector.extract_strided_slice %concatenate3A {offsets = [0, 12], sizes = [12, 128], strides = [1, 1]} : vector<12x256xf32> to vector<12x128xf32>
    %swap3A_809 = arith.constant 0 : index
    %swap3A_810 = arith.constant 115 : index
    %swap3A_811 = arith.constant 0 : index
    %swap3A_812 = vector.load %arg3[%swap3A_809, %swap3A_810, %swap3A_811] : memref<12x128x128xf32, #tpu.memory_space<vmem>>, vector<12x1x128xf32>
    %swap3A_813 = vector.shape_cast %swap3A_812 : vector<12x1x128xf32> to vector<12x128xf32>
    %swap3A_814 = vector.shape_cast %slice3A_808 : vector<12x128xf32> to vector<12x1x128xf32>
    tpu.vector_store %arg3[%swap3A_809, %swap3A_810, %swap3A_811], %swap3A_814 {strides = array<i32>} : memref<12x128x128xf32, #tpu.memory_space<vmem>>, vector<12x1x128xf32>,
    %slice3A_815 = vector.extract_strided_slice %concatenate3A {offsets = [0, 11], sizes = [12, 128], strides = [1, 1]} : vector<12x256xf32> to vector<12x128xf32>
    %swap3A_816 = arith.constant 0 : index
    %swap3A_817 = arith.constant 116 : index
    %swap3A_818 = arith.constant 0 : index
    %swap3A_819 = vector.load %arg3[%swap3A_816, %swap3A_817, %swap3A_818] : memref<12x128x128xf32, #tpu.memory_space<vmem>>, vector<12x1x128xf32>
    %swap3A_820 = vector.shape_cast %swap3A_819 : vector<12x1x128xf32> to vector<12x128xf32>
    %swap3A_821 = vector.shape_cast %slice3A_815 : vector<12x128xf32> to vector<12x1x128xf32>
    tpu.vector_store %arg3[%swap3A_816, %swap3A_817, %swap3A_818], %swap3A_821 {strides = array<i32>} : memref<12x128x128xf32, #tpu.memory_space<vmem>>, vector<12x1x128xf32>,
    %slice3A_822 = vector.extract_strided_slice %concatenate3A {offsets = [0, 10], sizes = [12, 128], strides = [1, 1]} : vector<12x256xf32> to vector<12x128xf32>
    %swap3A_823 = arith.constant 0 : index
    %swap3A_824 = arith.constant 117 : index
    %swap3A_825 = arith.constant 0 : index
    %swap3A_826 = vector.load %arg3[%swap3A_823, %swap3A_824, %swap3A_825] : memref<12x128x128xf32, #tpu.memory_space<vmem>>, vector<12x1x128xf32>
    %swap3A_827 = vector.shape_cast %swap3A_826 : vector<12x1x128xf32> to vector<12x128xf32>
    %swap3A_828 = vector.shape_cast %slice3A_822 : vector<12x128xf32> to vector<12x1x128xf32>
    tpu.vector_store %arg3[%swap3A_823, %swap3A_824, %swap3A_825], %swap3A_828 {strides = array<i32>} : memref<12x128x128xf32, #tpu.memory_space<vmem>>, vector<12x1x128xf32>,
    %slice3A_829 = vector.extract_strided_slice %concatenate3A {offsets = [0, 9], sizes = [12, 128], strides = [1, 1]} : vector<12x256xf32> to vector<12x128xf32>
    %swap3A_830 = arith.constant 0 : index
    %swap3A_831 = arith.constant 118 : index
    %swap3A_832 = arith.constant 0 : index
    %swap3A_833 = vector.load %arg3[%swap3A_830, %swap3A_831, %swap3A_832] : memref<12x128x128xf32, #tpu.memory_space<vmem>>, vector<12x1x128xf32>
    %swap3A_834 = vector.shape_cast %swap3A_833 : vector<12x1x128xf32> to vector<12x128xf32>
    %swap3A_835 = vector.shape_cast %slice3A_829 : vector<12x128xf32> to vector<12x1x128xf32>
    tpu.vector_store %arg3[%swap3A_830, %swap3A_831, %swap3A_832], %swap3A_835 {strides = array<i32>} : memref<12x128x128xf32, #tpu.memory_space<vmem>>, vector<12x1x128xf32>,
    %slice3A_836 = vector.extract_strided_slice %concatenate3A {offsets = [0, 8], sizes = [12, 128], strides = [1, 1]} : vector<12x256xf32> to vector<12x128xf32>
    %swap3A_837 = arith.constant 0 : index
    %swap3A_838 = arith.constant 119 : index
    %swap3A_839 = arith.constant 0 : index
    %swap3A_840 = vector.load %arg3[%swap3A_837, %swap3A_838, %swap3A_839] : memref<12x128x128xf32, #tpu.memory_space<vmem>>, vector<12x1x128xf32>
    %swap3A_841 = vector.shape_cast %swap3A_840 : vector<12x1x128xf32> to vector<12x128xf32>
    %swap3A_842 = vector.shape_cast %slice3A_836 : vector<12x128xf32> to vector<12x1x128xf32>
    tpu.vector_store %arg3[%swap3A_837, %swap3A_838, %swap3A_839], %swap3A_842 {strides = array<i32>} : memref<12x128x128xf32, #tpu.memory_space<vmem>>, vector<12x1x128xf32>,
    %slice3A_843 = vector.extract_strided_slice %concatenate3A {offsets = [0, 7], sizes = [12, 128], strides = [1, 1]} : vector<12x256xf32> to vector<12x128xf32>
    %swap3A_844 = arith.constant 0 : index
    %swap3A_845 = arith.constant 120 : index
    %swap3A_846 = arith.constant 0 : index
    %swap3A_847 = vector.load %arg3[%swap3A_844, %swap3A_845, %swap3A_846] : memref<12x128x128xf32, #tpu.memory_space<vmem>>, vector<12x1x128xf32>
    %swap3A_848 = vector.shape_cast %swap3A_847 : vector<12x1x128xf32> to vector<12x128xf32>
    %swap3A_849 = vector.shape_cast %slice3A_843 : vector<12x128xf32> to vector<12x1x128xf32>
    tpu.vector_store %arg3[%swap3A_844, %swap3A_845, %swap3A_846], %swap3A_849 {strides = array<i32>} : memref<12x128x128xf32, #tpu.memory_space<vmem>>, vector<12x1x128xf32>,
    %slice3A_850 = vector.extract_strided_slice %concatenate3A {offsets = [0, 6], sizes = [12, 128], strides = [1, 1]} : vector<12x256xf32> to vector<12x128xf32>
    %swap3A_851 = arith.constant 0 : index
    %swap3A_852 = arith.constant 121 : index
    %swap3A_853 = arith.constant 0 : index
    %swap3A_854 = vector.load %arg3[%swap3A_851, %swap3A_852, %swap3A_853] : memref<12x128x128xf32, #tpu.memory_space<vmem>>, vector<12x1x128xf32>
    %swap3A_855 = vector.shape_cast %swap3A_854 : vector<12x1x128xf32> to vector<12x128xf32>
    %swap3A_856 = vector.shape_cast %slice3A_850 : vector<12x128xf32> to vector<12x1x128xf32>
    tpu.vector_store %arg3[%swap3A_851, %swap3A_852, %swap3A_853], %swap3A_856 {strides = array<i32>} : memref<12x128x128xf32, #tpu.memory_space<vmem>>, vector<12x1x128xf32>,
    %slice3A_857 = vector.extract_strided_slice %concatenate3A {offsets = [0, 5], sizes = [12, 128], strides = [1, 1]} : vector<12x256xf32> to vector<12x128xf32>
    %swap3A_858 = arith.constant 0 : index
    %swap3A_859 = arith.constant 122 : index
    %swap3A_860 = arith.constant 0 : index
    %swap3A_861 = vector.load %arg3[%swap3A_858, %swap3A_859, %swap3A_860] : memref<12x128x128xf32, #tpu.memory_space<vmem>>, vector<12x1x128xf32>
    %swap3A_862 = vector.shape_cast %swap3A_861 : vector<12x1x128xf32> to vector<12x128xf32>
    %swap3A_863 = vector.shape_cast %slice3A_857 : vector<12x128xf32> to vector<12x1x128xf32>
    tpu.vector_store %arg3[%swap3A_858, %swap3A_859, %swap3A_860], %swap3A_863 {strides = array<i32>} : memref<12x128x128xf32, #tpu.memory_space<vmem>>, vector<12x1x128xf32>,
    %slice3A_864 = vector.extract_strided_slice %concatenate3A {offsets = [0, 4], sizes = [12, 128], strides = [1, 1]} : vector<12x256xf32> to vector<12x128xf32>
    %swap3A_865 = arith.constant 0 : index
    %swap3A_866 = arith.constant 123 : index
    %swap3A_867 = arith.constant 0 : index
    %swap3A_868 = vector.load %arg3[%swap3A_865, %swap3A_866, %swap3A_867] : memref<12x128x128xf32, #tpu.memory_space<vmem>>, vector<12x1x128xf32>
    %swap3A_869 = vector.shape_cast %swap3A_868 : vector<12x1x128xf32> to vector<12x128xf32>
    %swap3A_870 = vector.shape_cast %slice3A_864 : vector<12x128xf32> to vector<12x1x128xf32>
    tpu.vector_store %arg3[%swap3A_865, %swap3A_866, %swap3A_867], %swap3A_870 {strides = array<i32>} : memref<12x128x128xf32, #tpu.memory_space<vmem>>, vector<12x1x128xf32>,
    %slice3A_871 = vector.extract_strided_slice %concatenate3A {offsets = [0, 3], sizes = [12, 128], strides = [1, 1]} : vector<12x256xf32> to vector<12x128xf32>
    %swap3A_872 = arith.constant 0 : index
    %swap3A_873 = arith.constant 124 : index
    %swap3A_874 = arith.constant 0 : index
    %swap3A_875 = vector.load %arg3[%swap3A_872, %swap3A_873, %swap3A_874] : memref<12x128x128xf32, #tpu.memory_space<vmem>>, vector<12x1x128xf32>
    %swap3A_876 = vector.shape_cast %swap3A_875 : vector<12x1x128xf32> to vector<12x128xf32>
    %swap3A_877 = vector.shape_cast %slice3A_871 : vector<12x128xf32> to vector<12x1x128xf32>
    tpu.vector_store %arg3[%swap3A_872, %swap3A_873, %swap3A_874], %swap3A_877 {strides = array<i32>} : memref<12x128x128xf32, #tpu.memory_space<vmem>>, vector<12x1x128xf32>,
    %slice3A_878 = vector.extract_strided_slice %concatenate3A {offsets = [0, 2], sizes = [12, 128], strides = [1, 1]} : vector<12x256xf32> to vector<12x128xf32>
    %swap3A_879 = arith.constant 0 : index
    %swap3A_880 = arith.constant 125 : index
    %swap3A_881 = arith.constant 0 : index
    %swap3A_882 = vector.load %arg3[%swap3A_879, %swap3A_880, %swap3A_881] : memref<12x128x128xf32, #tpu.memory_space<vmem>>, vector<12x1x128xf32>
    %swap3A_883 = vector.shape_cast %swap3A_882 : vector<12x1x128xf32> to vector<12x128xf32>
    %swap3A_884 = vector.shape_cast %slice3A_878 : vector<12x128xf32> to vector<12x1x128xf32>
    tpu.vector_store %arg3[%swap3A_879, %swap3A_880, %swap3A_881], %swap3A_884 {strides = array<i32>} : memref<12x128x128xf32, #tpu.memory_space<vmem>>, vector<12x1x128xf32>,
    %slice3A_885 = vector.extract_strided_slice %concatenate3A {offsets = [0, 1], sizes = [12, 128], strides = [1, 1]} : vector<12x256xf32> to vector<12x128xf32>
    %swap3A_886 = arith.constant 0 : index
    %swap3A_887 = arith.constant 126 : index
    %swap3A_888 = arith.constant 0 : index
    %swap3A_889 = vector.load %arg3[%swap3A_886, %swap3A_887, %swap3A_888] : memref<12x128x128xf32, #tpu.memory_space<vmem>>, vector<12x1x128xf32>
    %swap3A_890 = vector.shape_cast %swap3A_889 : vector<12x1x128xf32> to vector<12x128xf32>
    %swap3A_891 = vector.shape_cast %slice3A_885 : vector<12x128xf32> to vector<12x1x128xf32>
    tpu.vector_store %arg3[%swap3A_886, %swap3A_887, %swap3A_888], %swap3A_891 {strides = array<i32>} : memref<12x128x128xf32, #tpu.memory_space<vmem>>, vector<12x1x128xf32>,
    %slice3A_892 = vector.extract_strided_slice %concatenate3A {offsets = [0, 0], sizes = [12, 128], strides = [1, 1]} : vector<12x256xf32> to vector<12x128xf32>
    %swap3A_893 = arith.constant 0 : index
    %swap3A_894 = arith.constant 127 : index
    %swap3A_895 = arith.constant 0 : index
    %swap3A_896 = vector.load %arg3[%swap3A_893, %swap3A_894, %swap3A_895] : memref<12x128x128xf32, #tpu.memory_space<vmem>>, vector<12x1x128xf32>
    %swap3A_897 = vector.shape_cast %swap3A_896 : vector<12x1x128xf32> to vector<12x128xf32>
    %swap3A_898 = vector.shape_cast %slice3A_892 : vector<12x128xf32> to vector<12x1x128xf32>
    tpu.vector_store %arg3[%swap3A_893, %swap3A_894, %swap3A_895], %swap3A_898 {strides = array<i32>} : memref<12x128x128xf32, #tpu.memory_space<vmem>>, vector<12x1x128xf32>,
    return
  }
  func.func @transform_0(%arg0: i32) -> (i32, i32) {
    %c0_i32 = arith.constant 0 : i32
    %c0_i32_0 = arith.constant 0 : i32
    return %c0_i32, %arg0 : i32, i32
  }
  func.func @transform_1(%arg0: i32) -> (i32, i32) {
    %add3A = arith.constant 1 : i32
    %add3A_0 = arith.addi %arg0, %add3A : i32
    %c0_i32 = arith.constant 0 : i32
    %c0_i32_1 = arith.constant 0 : i32
    return %c0_i32, %add3A_0 : i32, i32
  }
  func.func @transform_2(%arg0: i32) -> (i32, i32, i32) {
    %c0_i32 = arith.constant 0 : i32
    %c0_i32_0 = arith.constant 0 : i32
    %c0_i32_1 = arith.constant 0 : i32
    return %c0_i32, %c0_i32_0, %arg0 : i32, i32, i32
  }
}

</mosaic_0001>

<sc_bundles>
// kernel: kernel.5.cloned.1.call-start
scs
__scs_entry_jumppad:
0x0: {  	(pc) =	sbr.rel $0x88, $3  }
0x1: {  	(tag) =	ssettag $0x0;
	lr =	simm.s32 $0x1  }
0x2: {  	[smem:$0x3FA0] =	sst lr;
	_ =	strace $0xD0000000  }
0x3: {  	_ = 	snop  }
0x4: {  	_ = 	snop  }
0x5: {  	_ = 	snop  }
0x6: {  	_ = 	snop  }
0x7: {  	_ = 	snop  }
__scs_overlays_trampoline_lowered:
0x8: {  	[smem:$0x3FAF] =	sst s0  }
0x9: {  	[smem:$0x3FB0] =	sst s1  }
0xa: {  	[smem:$0x3FB1] =	sst s2  }
0xb: {  	[smem:$0x3FB2] =	sst s3  }
0xc: {  	[smem:$0x3FB3] =	sst s4  }
0xd: {  	[smem:$0x3FB4] =	sst s5  }
0xe: {  	[smem:$0x3FB5] =	sst s6  }
0xf: {  	[smem:$0x3FB6] =	sst s7  }
0x10: {  	[smem:$0x3FB7] =	sst s8  }
0x11: {  	[smem:$0x3FB8] =	sst s9;
	s0 =	simm.s32 @!p0 $0x0  }
0x12: {  	s1 =	sld [smem:$0x3F9E];
	s0 =	simm.s32 @p0 $0x1  }
0x13: {  	[smem:$0x3FB9] =	sst s0;
	s0 =	simm.s32 @!p1 $0x0  }
0x14: {  	s2 =	sld [smem:$0x3F9D];
	s0 =	simm.s32 @p1 $0x1  }
0x15: {  	[smem:$0x3FBA] =	sst s0;
	s0 =	simm.s32 @!p2 $0x0  }
0x16: {  	s3 =	sld [smem:$0x3FDB];
	s0 =	simm.s32 @p2 $0x1  }
0x17: {  	s4 =	simm.s32 $0x1BF5;
	[smem:$0x3FBC] =	sst s0  }
0x18: {  	s0 =	sld [smem:$0x3F9F];
	_ =	swait.ge [sflag:s4], $0x0  }
0x19: {  	s7 =	sld [smem:$0x3FA0]  }
0x1a: {  	s8 =	sadd.s32 $0xFFFFE003, lr  }
0x1b: {  	s9 =	sadd.s32 $0xFFFFFEF7, lr;
	s5 =	simm.s32 $0xFFFFFFFF;
	p2 =	slt.u32 s8, $0xFFFFF086  }
0x1c: {  	p1 =	slt.u32 s9, $0xF7A;
	s5 =	simm.s32 @!p2 $0x0  }
0x1d: {  	s5 =	simm.s32 @p1 $0x1;
	p0 =	seq.s32 s7, s2  }
0x1e: {  	s7 =	smul.u32 @!p0 $0xF7A, s2;
	p2 =	seq.s32 @!p0 s5, $0x0  }
0x1f: {  	s9 =	smul.u32 $0xF7A, s1;
	s8 =	simm.s32 @!p0 $0x1BF5;
	p2 =	por !p2, p0  }
0x20: {  	[sflag:s8] =	ssyncset.s32 @!p0 $0xFFFFF086;
	s6 =	sadd.s32 @!p0 s3, s7;
	s7 =	simm.s32 @!p0 $0x108  }
0x21: {  	s3 =	sadd.s32 s3, s9;
	s6 =	sadd.s32 @!p0 $0x88, s6;
	s7 =	simm.s32 @p2 $0x1082  }
0x22: {  	[simem:s7], [sflag:s8] =	dma.local @!p0 [hbm:s6], $0xF7A  }
0x23: {  	s9 =	sor.u32 $0xD0000000, s2;
	s6 =	simm.s32 $0x108;
	_ =	swait.ge @!p0 [sflag:s8], $0x0  }
0x24: {  	s3 =	sadd.s32 $0x88, s3;
	s6 =	simm.s32 @!p1 $0x1082;
	[sflag:s4] =	ssyncset.s32 $0xFFFFF086  }
0x25: {  	[simem:s6], [sflag:s4] =	dma.local [hbm:s3], $0xF7A  }
0x26: {  	[smem:$0x3FA0] =	sst s1;
	(tag) =	ssettag s2;
	_ =	strace s9  }
0x27: {  	s1 =	sld [smem:$0x3FB0]  }
0x28: {  	s2 =	sld [smem:$0x3FB1]  }
0x29: {  	s4 =	sld [smem:$0x3FB3]  }
0x2a: {  	p0 =	seq.s32 s5, $0x0;
	s5 =	sld [smem:$0x3FB4]  }
0x2b: {  	s6 =	sld [smem:$0x3FB5]  }
0x2c: {  	s7 =	sld [smem:$0x3FB6]  }
0x2d: {  	s3 =	simm.s32 $0x108;
	s8 =	sld [smem:$0x3FB7]  }
0x2e: {  	s3 =	simm.s32 @!p0 $0x1082;
	s9 =	sld [smem:$0x3FB8]  }
0x2f: {  	lr =	sadd.s32 s0, s3;
	s0 =	sld [smem:$0x3FAF]  }
0x30: {  	s3 =	sld [smem:$0x3FB2]  }
0x31: {  	[smem:$0x3FBB] =	sst s10  }
0x32: {  	s10 =	sld [smem:$0x3FB9];
	_ =	sdelay $0x3  }
0x33: {  	p0 =	seq.s32 s10, $0x1;
	s10 =	sld [smem:$0x3FBB];
	_ =	sdelay $0x3  }
0x34: {  	[smem:$0x3FBB] =	sst s10  }
0x35: {  	s10 =	sld [smem:$0x3FBA];
	_ =	sdelay $0x3  }
0x36: {  	p1 =	seq.s32 s10, $0x1;
	s10 =	sld [smem:$0x3FBB];
	_ =	sdelay $0x3  }
0x37: {  	[smem:$0x3FBB] =	sst s10  }
0x38: {  	s10 =	sld [smem:$0x3FBC]  }
0x39: {  	_ = 	snop;
	(pc) =	sbr.ind lr, $3  }
0x3a: {  	_ = 	snop  }
0x3b: {  	_ = 	snop  }
0x3c: {  	p2 =	seq.s32 s10, $0x1;
	s10 =	sld [smem:$0x3FBB]  }
0x3d: {  	_ =	shalt  }
0x3e: {  	_ =	shalt  }
0x3f: {  	_ =	shalt  }
0x40: {  	_ =	shalt  }
0x41: {  	_ =	shalt  }
0x42: {  	_ =	shalt  }
0x43: {  	_ =	shalt  }
0x44: {  	_ =	shalt  }
0x45: {  	_ =	shalt  }
0x46: {  	_ =	shalt  }
0x47: {  	_ =	shalt  }
0x48: {  	_ =	shalt  }
0x49: {  	_ =	shalt  }
0x4a: {  	_ =	shalt  }
0x4b: {  	_ =	shalt  }
0x4c: {  	_ =	shalt  }
0x4d: {  	_ =	shalt  }
0x4e: {  	_ =	shalt  }
0x4f: {  	_ =	shalt  }
0x50: {  	_ =	shalt  }
0x51: {  	_ =	shalt  }
0x52: {  	_ =	shalt  }
0x53: {  	_ =	shalt  }
0x54: {  	_ =	shalt  }
0x55: {  	_ =	shalt  }
0x56: {  	_ =	shalt  }
0x57: {  	_ =	shalt  }
0x58: {  	_ =	shalt  }
0x59: {  	_ =	shalt  }
0x5a: {  	_ =	shalt  }
0x5b: {  	_ =	shalt  }
0x5c: {  	_ =	shalt  }
0x5d: {  	_ =	shalt  }
0x5e: {  	_ =	shalt  }
0x5f: {  	_ =	shalt  }
0x60: {  	_ =	shalt  }
0x61: {  	_ =	shalt  }
0x62: {  	_ =	shalt  }
0x63: {  	_ =	shalt  }
0x64: {  	_ =	shalt  }
0x65: {  	_ =	shalt  }
0x66: {  	_ =	shalt  }
0x67: {  	_ =	shalt  }
0x68: {  	_ =	shalt  }
0x69: {  	_ =	shalt  }
0x6a: {  	_ =	shalt  }
0x6b: {  	_ =	shalt  }
0x6c: {  	_ =	shalt  }
0x6d: {  	_ =	shalt  }
0x6e: {  	_ =	shalt  }
0x6f: {  	_ =	shalt  }
0x70: {  	_ =	shalt  }
0x71: {  	_ =	shalt  }
0x72: {  	_ =	shalt  }
0x73: {  	_ =	shalt  }
0x74: {  	_ =	shalt  }
0x75: {  	_ =	shalt  }
0x76: {  	_ =	shalt  }
0x77: {  	_ =	shalt  }
0x78: {  	_ =	shalt  }
0x79: {  	_ =	shalt  }
0x7a: {  	_ =	shalt  }
0x7b: {  	_ =	shalt  }
0x7c: {  	_ =	shalt  }
0x7d: {  	_ =	shalt  }
0x7e: {  	_ =	shalt  }
0x7f: {  	_ =	shalt  }
0x80: {  	_ =	shalt  }
0x81: {  	_ =	shalt  }
0x82: {  	_ =	shalt  }
0x83: {  	_ =	shalt  }
0x84: {  	_ =	shalt  }
0x85: {  	_ =	shalt  }
0x86: {  	_ =	shalt  }
0x87: {  	_ =	shalt  }
.Lfunc_end0:
.L_simem_size_0:
called_computation_lowered:
.L_overlay_start_0:
0x88: {  	s2 =	sld [smem:$0x3FD9]  }
0x89: {  	s3 =	sld [smem:$0x3FFE];
	_ =	sdelay $0x1  }
0x8a: {  	s1 =	srdreg.scid  }
0x8b: {  	s0 =	sand.u32 $0x1, s1  }
0x8c: {  	s17 =	sshll.u32 s0, $0xA;
	s2 =	sadd.s32 s3, s2  }
0x8d: {  	s2 =	sadd.s32 s2, s17  }
0x8e: {  	[smem:$0x3FC7] =	sst s2  }
0x8f: {  	_ = 	snop  }
0x90: {  	s2 =	sld [smem:$0x3FD0];
	(tm) =	ssettm $0x1  }
0x91: {  	s18 =	sld [smem:$0x3FFB];
	_ =	sdelay $0x3  }
0x92: {  	_ =	strace s18  }
0x93: {  	s3 =	sld [smem:$0x3FFC];
	_ =	sdelay $0x3  }
0x94: {  	_ =	strace s3  }
0x95: {  	s3 =	sld [smem:$0x3FFD];
	_ =	sdelay $0x3  }
0x96: {  	_ =	strace s3  }
0x97: {  	_ =	strace $0x8FFFFFFF  }
0x98: {  	s19 =	sld [smem:$0x3FDB];
	_ =	sdelay $0x1  }
0x99: {  	s4 =	simm.s32 $_scs_section_size  }
0x9a: {  	s5 =	simm.s32 $_size__tile_overlayer_lowered;
	s6 =	simm.s32 $_tile_overlayer_lowered  }
0x9b: {  	s22 =	simm.s32 $0x1BFF;
	s21 =	sshll.u32 s6, $0x1;
	s3 =	sadd.s32 s4, s19  }
0x9c: {  	s7 =	simm.s32 $0x0;
	s20 =	sshll.u32 s5, $0x1;
	s5 =	sadd.s32 s21, s3  }
0x9d: {  	[timem:s7], [sflag:s22] =	dma.local [hbm:s5], s20  }
0x9e: {  	_ =	swait.ge [sflag:s22], s20  }
0x9f: {  	s4 =	ssub.s32 $0x0, s20;
	[sflag:s22] =	ssyncset.done $0x0  }
0xa0: {  	[sflag:s22] =	ssyncadd.s32 s4;
	_ =	sdelay $0x1  }
0xa1: {  	s23 =	simm.s32 $0x1B8B  }
0xa2: {  	_ =	swait.ge [sflag:s23], $0x1  }
0xa3: {  	[sflag:s23] =	ssyncset.done $0x0  }
0xa4: {  	s25 =	simm.s32 $0x1B8E;
	s24 =	sld [smem:$0x3FFE];
	[sflag:s23] =	ssyncadd.s32 $0xFFFFFFFF  }
0xa5: {  	s26 =	simm.s32 $execute0_lowered;
	[smem:$0x3FD2] =	sst s25  }
0xa6: {  	s5 =	sshll.u32 s26, $0x1;
	_ =	strace $0x80000046;
	[dreg:$0x1] =	wrdreg $0xFFFFFFFF  }
0xa7: {  	s28 =	simm.s32 $_size_execute0_lowered;
	s3 =	sadd.s32 s3, s5;
	[dreg:$0x0] =	wrdreg $0x0  }
0xa8: {  	s5 =	sshll.u32 s28, $0x1;
	[dreg:$0x2] =	wrdreg s3  }
0xa9: {  	[dreg:$0x3] =	wrdreg s5  }
0xaa: {  	[dreg:$0x4] =	wrdreg $0xC0  }
0xab: {  	_ =	task [dreg:s7], $0x5FFFF  }
0xac: {  	[dreg:$0x1] =	wrdreg $0xFFFFFFFF  }
0xad: {  	[dreg:$0x0] =	wrdreg $0x60  }
0xae: {  	[dreg:$0x2] =	wrdreg s24  }
0xaf: {  	[dreg:$0x3] =	wrdreg s2  }
0xb0: {  	[dreg:$0x4] =	wrdreg $0x0  }
0xb1: {  	[dreg:$0x5] =	wrdreg $0x5C000  }
0xb2: {  	[dreg:$0x6] =	wrdreg $0x9  }
0xb3: {  	_ =	task.clear_ibuf [dreg:s7], $0x7FFFF;
	_ =	strace $0x90000046  }
0xb4: {  	s29 =	simm.s32 $0x9;
	_ =	strace $0x80000048  }
0xb5: {  	_ =	swait.ge [sflag:s29], $0x1  }
0xb6: {  	[sflag:s29] =	ssyncadd.s32 $0xFFFFFFFF  }
0xb7: {  	_ =	strace $0x90000048  }
0xb8: {  	_ =	sfence  }
0xb9: {  	s30 =	sld [smem:$0x0];
	_ =	sdelay $0x2  }
0xba: {  	s31 =	sshll.u32 s1, $0xD;
	s1 =	sshrl.u32 s1, $0x2  }
0xbb: {  	s3 =	sand.u32 $0x4000, s31;
	s1 =	sadd.s32 s1, s30  }
0xbc: {  	s0 =	sor.u32 s3, s0;
	s1 =	sshll.u32 s1, $0x11  }
0xbd: {  	s0 =	sor.u32 s1, s0  }
0xbe: {  	s0 =	sadd.s32 $0x8F2B, s0  }
0xbf: {  	[sflag:s0] =	ssyncadd.remote.s32 $0x1  }
0xc0: {  	_ =	sfence.sel $0xFFFF  }
0xc1: {  	[dreg:$0x0] =	wrdreg $0xFFFFFFFF;
	(pc) =	sbr.abs _section_cstart, $3  }
0xc2: {  	[dreg:$0x1] =	wrdreg $0xFFFFFFFF  }
0xc3: {  	_ =	task.clear_ibuf [dreg:s7], $0x2FFFF;
	_ =	strace $0x9FFFFFFF  }
0xc4: {  	(tm) =	ssettm $0x7FFFFFFF  }
0xc5: {  	_ =	shalt  }
tec
execute0_lowered:
.L_overlay_start_1:
0x0: {  	(tag) =	ssettag $0x1  }
0x1: {  	s1 =	rddreg [dreg:$0x0]  }
0x2: {  	s2 =	rddreg [dreg:$0x1]  }
0x3: {  	s6 =	rddreg [dreg:$0x2]  }
0x4: {  	s0 =	srdreg.scid;
	s20 =	rddreg [dreg:$0x3]  }
0x5: {  	s3 =	simm.s32 $0x0;
	s29 =	sand.u32 $0x1, s0;
	s0 =	rddreg [dreg:$0x4]  }
0x6: {  	s12 =	stileid.u32;
	[smem:$0x7FF] =	sst s3  }
0x7: {  	s19 =	sshll.u32 s12, $0xF;
	s8 =	sadd.s32 $0x200000, s2;
	s4 =	sshll.u32 s29, $0xA  }
0x8: {  	s10 =	sadd.s32 $0x300000, s2;
	_ =	strace $0x80000047;
	s31 =	sadd.s32 s4, s8  }
0x9: {  	s3 =	sadd.s32 s4, s1;
	s14 =	sadd.s32 s4, s10;
	[dreg:$0xe] =	wrdreg s31  }
0xa: {  	s7 =	sadd.s32 $0x100000, s2;
	s1 =	sadd.s32 $0x400, s3;
	[dreg:$0x13] =	wrdreg s14  }
0xb: {  	s5 =	sor.u32 s4, s19;
	s21 =	sadd.s32 $0xFC00, s3;
	[dreg:$0x5] =	wrdreg s1  }
0xc: {  	s22 =	sadd.s32 s5, s7;
	[dreg:$0x6] =	wrdreg s21  }
0xd: {  	s23 =	sadd.s32 $0x1F400, s3;
	[dreg:$0x7] =	wrdreg s22  }
0xe: {  	s7 =	sadd.s32 s4, s7;
	[dreg:$0x8] =	wrdreg s23  }
0xf: {  	s24 =	sadd.s32 $0x2EC00, s3;
	[dreg:$0x9] =	wrdreg s7  }
0x10: {  	s26 =	sadd.s32 s5, s8;
	[dreg:$0xa] =	wrdreg s24  }
0x11: {  	s30 =	sadd.s32 $0x3E400, s3;
	[dreg:$0xc] =	wrdreg s26  }
0x12: {  	s8 =	sadd.s32 $0x4DC00, s3;
	[dreg:$0xd] =	wrdreg s30  }
0x13: {  	s11 =	sadd.s32 s5, s10;
	[dreg:$0xf] =	wrdreg s8  }
0x14: {  	s13 =	sadd.s32 $0x5D400, s3;
	[dreg:$0x11] =	wrdreg s11  }
0x15: {  	s17 =	sadd.s32 $0x400000, s2;
	s15 =	sadd.s32 $0x6CC00, s3;
	[dreg:$0x12] =	wrdreg s13  }
0x16: {  	s18 =	sadd.s32 s5, s17;
	[dreg:$0x14] =	wrdreg s15  }
0x17: {  	s19 =	sadd.s32 $0x7C400, s3;
	[dreg:$0x16] =	wrdreg s18  }
0x18: {  	[dreg:$0x17] =	wrdreg s19;
	s21 =	sadd.s32 s4, s17  }
0x19: {  	s22 =	sadd.s32 $0x8BC00, s3;
	[dreg:$0x18] =	wrdreg s21  }
0x1a: {  	s1 =	sadd.s32 s2, s5;
	s24 =	sadd.s32 $0x9B400, s3;
	[dreg:$0x19] =	wrdreg s22  }
0x1b: {  	s25 =	sadd.s32 $0x180000, s1;
	[dreg:$0x1c] =	wrdreg s24  }
0x1c: {  	s9 =	sadd.s32 $0x280000, s1;
	[dreg:$0xb] =	wrdreg s25  }
0x1d: {  	p0 =	sne.s32 s12, $0x0;
	s16 =	sadd.s32 $0x380000, s1;
	[dreg:$0x10] =	wrdreg s9  }
0x1e: {  	s2 =	sadd.s32 $0x500000, s2;
	s23 =	sadd.s32 $0x480000, s1;
	[dreg:$0x15] =	wrdreg s16  }
0x1f: {  	s26 =	sshll.u32 s12, $0xA;
	s5 =	sadd.s32 s5, s2;
	[dreg:$0x1a] =	wrdreg s23  }
0x20: {  	s7 =	simm.s32 @!p0 $0xB8;
	s2 =	sadd.s32 s4, s2;
	[dreg:$0x1b] =	wrdreg s5  }
0x21: {  	s8 =	simm.s32 @!p0 $0xB80;
	s30 =	sadd.s32 $0x580000, s1;
	[dreg:$0x1d] =	wrdreg s2  }
0x22: {  	s11 =	simm.s32 $0xB80;
	s25 =	sadd.s32 $0xAAC00, s3;
	[dreg:$0x1f] =	wrdreg s30  }
0x23: {  	s4 =	simm.s32 @!p0 $0x1C02;
	s9 =	sxor.u32 $0x3C00, s26;
	[dreg:$0x1e] =	wrdreg s25  }
0x24: {  	s3 =	simm.s32 @!p0 $0xF80;
	s5 =	simm.s32 @!p0 $0x2;
	[bflag:$0x0] =	sbarrier.arrive $0xFFFF  }
0x25: {  	s25 =	sadd.s32 s9, s6;
	s6 =	sshrl.u32 @!p0 s6, $0x3;
	s10 =	rddreg [dreg:$0x5]  }
0x26: {  	[spmem:s6@s8], [sflag:s4] =	dma.strided @!p0 [hbm:s10@s3], $0xB800, s7, $0x10   }
0x27: {  	s13 =	sshll.u32 s12, $0x6;
	s12 =	simm.s32 @p0 $0x1;
	_ =	swait.ge @!p0 [sflag:s5], $0xB800  }
0x28: {  	s15 =	simm.s32 @p0 $0x800;
	s13 =	sor.u32 $0x1C01, s13;
	[sflag:s5] =	ssyncset.done @!p0 $0x0  }
0x29: {  	s26 =	sadd.s32 s9, s20;
	s9 =	simm.s32 $0x40;
	[sflag:s5] =	ssyncadd.s32 @!p0 $0xFFFF4800  }
0x2a: {  	s14 =	sshrl.u32 s25, $0x3;
	s10 =	simm.s32 $0x800;
	[bflag:$0x0] =	sbarrier.arrive $0xFFFF  }
0x2b: {  	[hbm:s1@s10], [sflag:s13] =	dma.strided [spmem:s14@s11], $0x4000, s9, $0x10   }
0x2c: {  	s18 =	simm.s32 @p0 $0x40;
	s2 =	sadd.s32 $0x80000, s1;
	[bflag:$0x0] =	sbarrier.arrive $0xFFFF  }
0x2d: {  	s16 =	simm.s32 @p0 $0xB80;
	s17 =	sshrl.u32 @p0 s26, $0x3;
	[bflag:$0x0] =	sbarrier.arrive @p0 $0xFFFF  }
0x2e: {  	[hbm:s2@s15], [sflag:s13] =	dma.strided @p0 [spmem:s17@s16], $0x4000, s18, $0x10   }
0x2f: {  	_ =	swait.ge @p0 [sflag:s12], $0x4000  }
0x30: {  	[sflag:s12] =	ssyncset.done @p0 $0x0  }
0x31: {  	[sflag:s12] =	ssyncadd.s32 @p0 $0xFFFFC000  }
0x32: {  	[bflag:$0x0] =	sbarrier.arrive @p0 $0xFFFF  }
0x33: {  	[bflag:$0x0] =	sbarrier.arrive @p0 $0xFFFF  }
0x34: {  	s19 =	sshrl.u32 @p0 s25, $0x3;
	s21 =	rddreg [dreg:$0x7]  }
0x35: {  	[hbm:s21@s15], [sflag:s13] =	dma.strided @p0 [spmem:s19@s16], $0x4000, s18, $0x10   }
0x36: {  	_ =	swait.ge @p0 [sflag:s12], $0x4000  }
0x37: {  	[sflag:s12] =	ssyncset.done @p0 $0x0  }
0x38: {  	[sflag:s12] =	ssyncadd.s32 @p0 $0xFFFFC000  }
0x39: {  	[bflag:$0x0] =	sbarrier.arrive @p0 $0xFFFF  }
0x3a: {  	s20 =	sshrl.u32 @!p0 s20, $0x3;
	s21 =	rddreg [dreg:$0x6]  }
0x3b: {  	[spmem:s20@s8], [sflag:s4] =	dma.strided @!p0 [hbm:s21@s3], $0xB800, s7, $0x10   }
0x3c: {  	_ =	swait.ge @!p0 [sflag:s5], $0xB800  }
0x3d: {  	[sflag:s5] =	ssyncset.done @!p0 $0x0  }
0x3e: {  	s24 =	simm.s32 @!p0 $0x1;
	s23 =	simm.s32 @!p0 $0x40;
	[sflag:s5] =	ssyncadd.s32 @!p0 $0xFFFF4800  }
0x3f: {  	s22 =	sshrl.u32 @!p0 s26, $0x3;
	s21 =	simm.s32 @!p0 $0x800;
	[bflag:$0x0] =	sbarrier.arrive @!p0 $0xFFFF  }
0x40: {  	[hbm:s2@s21], [sflag:s13] =	dma.strided @!p0 [spmem:s22@s8], $0x4000, s23, $0x10   }
0x41: {  	_ =	swait.ge @!p0 [sflag:s24], $0x4000  }
0x42: {  	[sflag:s24] =	ssyncset.done @!p0 $0x0  }
0x43: {  	[sflag:s24] =	ssyncadd.s32 @!p0 $0xFFFFC000  }
0x44: {  	[bflag:$0x0] =	sbarrier.arrive @!p0 $0xFFFF  }
0x45: {  	s28 =	rddreg [dreg:$0x8]  }
0x46: {  	[spmem:s6@s8], [sflag:s4] =	dma.strided @!p0 [hbm:s28@s3], $0xB800, s7, $0x10   }
0x47: {  	_ =	swait.ge @!p0 [sflag:s5], $0xB800  }
0x48: {  	[sflag:s5] =	ssyncset.done @!p0 $0x0  }
0x49: {  	[sflag:s5] =	ssyncadd.s32 @!p0 $0xFFFF4800  }
0x4a: {  	[bflag:$0x0] =	sbarrier.arrive @!p0 $0xFFFF  }
0x4b: {  	s25 =	sshrl.u32 @!p0 s25, $0x3;
	s28 =	rddreg [dreg:$0x9]  }
0x4c: {  	[hbm:s28@s21], [sflag:s13] =	dma.strided @!p0 [spmem:s25@s8], $0x4000, s23, $0x10   }
0x4d: {  	_ =	swait.ge @!p0 [sflag:s24], $0x4000  }
0x4e: {  	[sflag:s24] =	ssyncset.done @!p0 $0x0  }
0x4f: {  	[sflag:s24] =	ssyncadd.s32 @!p0 $0xFFFFC000  }
0x50: {  	[bflag:$0x0] =	sbarrier.arrive @!p0 $0xFFFF  }
0x51: {  	s28 =	rddreg [dreg:$0xa]  }
0x52: {  	[spmem:s20@s8], [sflag:s4] =	dma.strided @!p0 [hbm:s28@s3], $0xB800, s7, $0x10   }
0x53: {  	_ =	swait.ge @!p0 [sflag:s5], $0xB800  }
0x54: {  	[sflag:s5] =	ssyncset.done @!p0 $0x0  }
0x55: {  	[sflag:s5] =	ssyncadd.s32 @!p0 $0xFFFF4800  }
0x56: {  	[bflag:$0x0] =	sbarrier.arrive $0xFFFF  }
0x57: {  	s26 =	sshrl.u32 s26, $0x3;
	s28 =	rddreg [dreg:$0xb]  }
0x58: {  	[hbm:s28@s10], [sflag:s13] =	dma.strided [spmem:s26@s11], $0x4000, s9, $0x10   }
0x59: {  	s28 =	simm.s32 $0x1  }
0x5a: {  	_ =	swait.ge [sflag:s28], $0x4000  }
0x5b: {  	[sflag:s28] =	ssyncset.done $0x0  }
0x5c: {  	[sflag:s28] =	ssyncadd.s32 $0xFFFFC000  }
0x5d: {  	[bflag:$0x0] =	sbarrier.arrive $0xFFFF  }
0x5e: {  	[bflag:$0x0] =	sbarrier.arrive @p0 $0xFFFF  }
0x5f: {  	s30 =	rddreg [dreg:$0xc]  }
0x60: {  	[hbm:s30@s15], [sflag:s13] =	dma.strided @p0 [spmem:s19@s16], $0x4000, s18, $0x10   }
0x61: {  	_ =	swait.ge @p0 [sflag:s12], $0x4000  }
0x62: {  	[sflag:s12] =	ssyncset.done @p0 $0x0  }
0x63: {  	[sflag:s12] =	ssyncadd.s32 @p0 $0xFFFFC000  }
0x64: {  	[bflag:$0x0] =	sbarrier.arrive @p0 $0xFFFF  }
0x65: {  	s30 =	rddreg [dreg:$0xd]  }
0x66: {  	[spmem:s6@s8], [sflag:s4] =	dma.strided @!p0 [hbm:s30@s3], $0xB800, s7, $0x10   }
0x67: {  	_ =	swait.ge @!p0 [sflag:s5], $0xB800  }
0x68: {  	[sflag:s5] =	ssyncset.done @!p0 $0x0  }
0x69: {  	[sflag:s5] =	ssyncadd.s32 @!p0 $0xFFFF4800  }
0x6a: {  	[bflag:$0x0] =	sbarrier.arrive @!p0 $0xFFFF  }
0x6b: {  	s30 =	rddreg [dreg:$0xe]  }
0x6c: {  	[hbm:s30@s21], [sflag:s13] =	dma.strided @!p0 [spmem:s25@s8], $0x4000, s23, $0x10   }
0x6d: {  	_ =	swait.ge @!p0 [sflag:s24], $0x4000  }
0x6e: {  	[sflag:s24] =	ssyncset.done @!p0 $0x0  }
0x6f: {  	[sflag:s24] =	ssyncadd.s32 @!p0 $0xFFFFC000  }
0x70: {  	[bflag:$0x0] =	sbarrier.arrive @!p0 $0xFFFF  }
0x71: {  	s30 =	rddreg [dreg:$0xf]  }
0x72: {  	[spmem:s20@s8], [sflag:s4] =	dma.strided @!p0 [hbm:s30@s3], $0xB800, s7, $0x10   }
0x73: {  	_ =	swait.ge @!p0 [sflag:s5], $0xB800  }
0x74: {  	[sflag:s5] =	ssyncset.done @!p0 $0x0  }
0x75: {  	[sflag:s5] =	ssyncadd.s32 @!p0 $0xFFFF4800  }
0x76: {  	[bflag:$0x0] =	sbarrier.arrive $0xFFFF  }
0x77: {  	s31 =	rddreg [dreg:$0x10]  }
0x78: {  	[hbm:s31@s10], [sflag:s13] =	dma.strided [spmem:s26@s11], $0x4000, s9, $0x10   }
0x79: {  	_ =	swait.ge [sflag:s28], $0x4000  }
0x7a: {  	[sflag:s28] =	ssyncset.done $0x0  }
0x7b: {  	[sflag:s28] =	ssyncadd.s32 $0xFFFFC000  }
0x7c: {  	[bflag:$0x0] =	sbarrier.arrive $0xFFFF  }
0x7d: {  	[bflag:$0x0] =	sbarrier.arrive @p0 $0xFFFF  }
0x7e: {  	s30 =	rddreg [dreg:$0x11]  }
0x7f: {  	[hbm:s30@s15], [sflag:s13] =	dma.strided @p0 [spmem:s19@s16], $0x4000, s18, $0x10   }
0x80: {  	_ =	swait.ge @p0 [sflag:s12], $0x4000  }
0x81: {  	[sflag:s12] =	ssyncset.done @p0 $0x0  }
0x82: {  	[sflag:s12] =	ssyncadd.s32 @p0 $0xFFFFC000  }
0x83: {  	[bflag:$0x0] =	sbarrier.arrive @p0 $0xFFFF  }
0x84: {  	s30 =	rddreg [dreg:$0x12]  }
0x85: {  	[spmem:s6@s8], [sflag:s4] =	dma.strided @!p0 [hbm:s30@s3], $0xB800, s7, $0x10   }
0x86: {  	_ =	swait.ge @!p0 [sflag:s5], $0xB800  }
0x87: {  	[sflag:s5] =	ssyncset.done @!p0 $0x0  }
0x88: {  	[sflag:s5] =	ssyncadd.s32 @!p0 $0xFFFF4800  }
0x89: {  	[bflag:$0x0] =	sbarrier.arrive @!p0 $0xFFFF  }
0x8a: {  	s30 =	rddreg [dreg:$0x13]  }
0x8b: {  	[hbm:s30@s21], [sflag:s13] =	dma.strided @!p0 [spmem:s25@s8], $0x4000, s23, $0x10   }
0x8c: {  	_ =	swait.ge @!p0 [sflag:s24], $0x4000  }
0x8d: {  	[sflag:s24] =	ssyncset.done @!p0 $0x0  }
0x8e: {  	[sflag:s24] =	ssyncadd.s32 @!p0 $0xFFFFC000  }
0x8f: {  	[bflag:$0x0] =	sbarrier.arrive @!p0 $0xFFFF  }
0x90: {  	s30 =	rddreg [dreg:$0x14]  }
0x91: {  	[spmem:s20@s8], [sflag:s4] =	dma.strided @!p0 [hbm:s30@s3], $0xB800, s7, $0x10   }
0x92: {  	_ =	swait.ge @!p0 [sflag:s5], $0xB800  }
0x93: {  	[sflag:s5] =	ssyncset.done @!p0 $0x0  }
0x94: {  	[sflag:s5] =	ssyncadd.s32 @!p0 $0xFFFF4800  }
0x95: {  	[bflag:$0x0] =	sbarrier.arrive $0xFFFF  }
0x96: {  	s31 =	rddreg [dreg:$0x15]  }
0x97: {  	[hbm:s31@s10], [sflag:s13] =	dma.strided [spmem:s26@s11], $0x4000, s9, $0x10   }
0x98: {  	_ =	swait.ge [sflag:s28], $0x4000  }
0x99: {  	[sflag:s28] =	ssyncset.done $0x0  }
0x9a: {  	[sflag:s28] =	ssyncadd.s32 $0xFFFFC000  }
0x9b: {  	[bflag:$0x0] =	sbarrier.arrive $0xFFFF  }
0x9c: {  	[bflag:$0x0] =	sbarrier.arrive @p0 $0xFFFF  }
0x9d: {  	s30 =	rddreg [dreg:$0x16]  }
0x9e: {  	[hbm:s30@s15], [sflag:s13] =	dma.strided @p0 [spmem:s19@s16], $0x4000, s18, $0x10   }
0x9f: {  	_ =	swait.ge @p0 [sflag:s12], $0x4000  }
0xa0: {  	[sflag:s12] =	ssyncset.done @p0 $0x0  }
0xa1: {  	[sflag:s12] =	ssyncadd.s32 @p0 $0xFFFFC000  }
0xa2: {  	[bflag:$0x0] =	sbarrier.arrive @p0 $0xFFFF  }
0xa3: {  	s30 =	rddreg [dreg:$0x17]  }
0xa4: {  	[spmem:s6@s8], [sflag:s4] =	dma.strided @!p0 [hbm:s30@s3], $0xB800, s7, $0x10   }
0xa5: {  	_ =	swait.ge @!p0 [sflag:s5], $0xB800  }
0xa6: {  	[sflag:s5] =	ssyncset.done @!p0 $0x0  }
0xa7: {  	[sflag:s5] =	ssyncadd.s32 @!p0 $0xFFFF4800  }
0xa8: {  	[bflag:$0x0] =	sbarrier.arrive @!p0 $0xFFFF  }
0xa9: {  	s30 =	rddreg [dreg:$0x18]  }
0xaa: {  	[hbm:s30@s21], [sflag:s13] =	dma.strided @!p0 [spmem:s25@s8], $0x4000, s23, $0x10   }
0xab: {  	_ =	swait.ge @!p0 [sflag:s24], $0x4000  }
0xac: {  	[sflag:s24] =	ssyncset.done @!p0 $0x0  }
0xad: {  	[sflag:s24] =	ssyncadd.s32 @!p0 $0xFFFFC000  }
0xae: {  	[bflag:$0x0] =	sbarrier.arrive @!p0 $0xFFFF  }
0xaf: {  	s30 =	rddreg [dreg:$0x19]  }
0xb0: {  	[spmem:s20@s8], [sflag:s4] =	dma.strided @!p0 [hbm:s30@s3], $0xB800, s7, $0x10   }
0xb1: {  	_ =	swait.ge @!p0 [sflag:s5], $0xB800  }
0xb2: {  	[sflag:s5] =	ssyncset.done @!p0 $0x0  }
0xb3: {  	[sflag:s5] =	ssyncadd.s32 @!p0 $0xFFFF4800  }
0xb4: {  	[bflag:$0x0] =	sbarrier.arrive $0xFFFF  }
0xb5: {  	s31 =	rddreg [dreg:$0x1a]  }
0xb6: {  	[hbm:s31@s10], [sflag:s13] =	dma.strided [spmem:s26@s11], $0x4000, s9, $0x10   }
0xb7: {  	_ =	swait.ge [sflag:s28], $0x4000  }
0xb8: {  	[sflag:s28] =	ssyncset.done $0x0  }
0xb9: {  	[sflag:s28] =	ssyncadd.s32 $0xFFFFC000  }
0xba: {  	[bflag:$0x0] =	sbarrier.arrive $0xFFFF  }
0xbb: {  	[bflag:$0x0] =	sbarrier.arrive @p0 $0xFFFF  }
0xbc: {  	s30 =	rddreg [dreg:$0x1b]  }
0xbd: {  	[hbm:s30@s15], [sflag:s13] =	dma.strided @p0 [spmem:s19@s16], $0x4000, s18, $0x10   }
0xbe: {  	_ =	swait.ge @p0 [sflag:s12], $0x4000  }
0xbf: {  	[sflag:s12] =	ssyncset.done @p0 $0x0  }
0xc0: {  	[sflag:s12] =	ssyncadd.s32 @p0 $0xFFFFC000  }
0xc1: {  	[bflag:$0x0] =	sbarrier.arrive @p0 $0xFFFF  }
0xc2: {  	s30 =	rddreg [dreg:$0x1c]  }
0xc3: {  	[spmem:s6@s8], [sflag:s4] =	dma.strided @!p0 [hbm:s30@s3], $0xB800, s7, $0x10   }
0xc4: {  	_ =	swait.ge @!p0 [sflag:s5], $0xB800  }
0xc5: {  	[sflag:s5] =	ssyncset.done @!p0 $0x0  }
0xc6: {  	[sflag:s5] =	ssyncadd.s32 @!p0 $0xFFFF4800  }
0xc7: {  	[bflag:$0x0] =	sbarrier.arrive @!p0 $0xFFFF  }
0xc8: {  	s30 =	rddreg [dreg:$0x1d]  }
0xc9: {  	[hbm:s30@s21], [sflag:s13] =	dma.strided @!p0 [spmem:s25@s8], $0x4000, s23, $0x10   }
0xca: {  	_ =	swait.ge @!p0 [sflag:s24], $0x4000  }
0xcb: {  	[sflag:s24] =	ssyncset.done @!p0 $0x0  }
0xcc: {  	[sflag:s24] =	ssyncadd.s32 @!p0 $0xFFFFC000  }
0xcd: {  	[bflag:$0x0] =	sbarrier.arrive @!p0 $0xFFFF  }
0xce: {  	s30 =	rddreg [dreg:$0x1e]  }
0xcf: {  	[spmem:s20@s8], [sflag:s4] =	dma.strided @!p0 [hbm:s30@s3], $0xB800, s7, $0x10   }
0xd0: {  	_ =	swait.ge @!p0 [sflag:s5], $0xB800  }
0xd1: {  	[sflag:s5] =	ssyncset.done @!p0 $0x0  }
0xd2: {  	[sflag:s5] =	ssyncadd.s32 @!p0 $0xFFFF4800  }
0xd3: {  	[bflag:$0x0] =	sbarrier.arrive $0xFFFF  }
0xd4: {  	s29 =	ssub.s32 $0x2, s29;
	s31 =	rddreg [dreg:$0x1f]  }
0xd5: {  	[hbm:s31@s10], [sflag:s13] =	dma.strided [spmem:s26@s11], $0x4000, s9, $0x10   }
0xd6: {  	s31 =	sshrl.u32 s29, $0x1  }
0xd7: {  	s29 =	ssub.s32 s29, s31  }
0xd8: {  	s29 =	smax.u32 s29, $0x1  }
0xd9: {  	s29 =	sadd.s32 $0xFFFFFFFF, s29  }
0xda: {  	p1 =	sne.s32 s29, $0x0  }
.Ltmp0:
0xdb: {  	_ =	swait.ge [sflag:s28], $0x4000;
	(pc) =	sbr.rel @!p1 .LBB2_2-.Ltmp0, $4  }
0xdc: {  	[sflag:s28] =	ssyncset.done $0x0  }
0xdd: {  	[sflag:s28] =	ssyncadd.s32 $0xFFFFC000  }
0xde: {  	_ =	swait.ge [sflag:s28], $0x4000  }
0xdf: {  	[sflag:s28] =	ssyncset.done $0x0  }
.LBB2_1:
0xe0: {  	[sflag:s28] =	ssyncadd.s32 $0xFFFFC000  }
0xe1: {  	[bflag:$0x0] =	sbarrier.arrive $0xFFFF  }
0xe2: {  	s30 =	rddreg [dreg:$0x5]  }
0xe3: {  	[spmem:s6@s8], [sflag:s4] =	dma.strided @!p0 [hbm:s30@s3], $0xB800, s7, $0x10   }
0xe4: {  	_ =	swait.ge @!p0 [sflag:s5], $0xB800  }
0xe5: {  	[sflag:s5] =	ssyncset.done @!p0 $0x0  }
0xe6: {  	[sflag:s5] =	ssyncadd.s32 @!p0 $0xFFFF4800  }
0xe7: {  	[bflag:$0x0] =	sbarrier.arrive $0xFFFF  }
0xe8: {  	[hbm:s1@s10], [sflag:s13] =	dma.strided [spmem:s14@s11], $0x4000, s9, $0x10   }
0xe9: {  	[bflag:$0x0] =	sbarrier.arrive $0xFFFF  }
0xea: {  	[bflag:$0x0] =	sbarrier.arrive @p0 $0xFFFF  }
0xeb: {  	[hbm:s2@s15], [sflag:s13] =	dma.strided @p0 [spmem:s17@s16], $0x4000, s18, $0x10   }
0xec: {  	_ =	swait.ge @p0 [sflag:s12], $0x4000  }
0xed: {  	[sflag:s12] =	ssyncset.done @p0 $0x0  }
0xee: {  	[sflag:s12] =	ssyncadd.s32 @p0 $0xFFFFC000  }
0xef: {  	[bflag:$0x0] =	sbarrier.arrive @p0 $0xFFFF  }
0xf0: {  	[bflag:$0x0] =	sbarrier.arrive @p0 $0xFFFF  }
0xf1: {  	s30 =	rddreg [dreg:$0x7]  }
0xf2: {  	[hbm:s30@s15], [sflag:s13] =	dma.strided @p0 [spmem:s19@s16], $0x4000, s18, $0x10   }
0xf3: {  	_ =	swait.ge @p0 [sflag:s12], $0x4000  }
0xf4: {  	[sflag:s12] =	ssyncset.done @p0 $0x0  }
0xf5: {  	[sflag:s12] =	ssyncadd.s32 @p0 $0xFFFFC000  }
0xf6: {  	[bflag:$0x0] =	sbarrier.arrive @p0 $0xFFFF  }
0xf7: {  	s30 =	rddreg [dreg:$0x6]  }
0xf8: {  	[spmem:s20@s8], [sflag:s4] =	dma.strided @!p0 [hbm:s30@s3], $0xB800, s7, $0x10   }
0xf9: {  	_ =	swait.ge @!p0 [sflag:s5], $0xB800  }
0xfa: {  	[sflag:s5] =	ssyncset.done @!p0 $0x0  }
0xfb: {  	[sflag:s5] =	ssyncadd.s32 @!p0 $0xFFFF4800  }
0xfc: {  	[bflag:$0x0] =	sbarrier.arrive @!p0 $0xFFFF  }
0xfd: {  	[hbm:s2@s21], [sflag:s13] =	dma.strided @!p0 [spmem:s22@s8], $0x4000, s23, $0x10   }
0xfe: {  	_ =	swait.ge @!p0 [sflag:s24], $0x4000  }
0xff: {  	[sflag:s24] =	ssyncset.done @!p0 $0x0  }
0x100: {  	[sflag:s24] =	ssyncadd.s32 @!p0 $0xFFFFC000  }
0x101: {  	[bflag:$0x0] =	sbarrier.arrive @!p0 $0xFFFF  }
0x102: {  	s30 =	rddreg [dreg:$0x8]  }
0x103: {  	[spmem:s6@s8], [sflag:s4] =	dma.strided @!p0 [hbm:s30@s3], $0xB800, s7, $0x10   }
0x104: {  	_ =	swait.ge @!p0 [sflag:s5], $0xB800  }
0x105: {  	[sflag:s5] =	ssyncset.done @!p0 $0x0  }
0x106: {  	[sflag:s5] =	ssyncadd.s32 @!p0 $0xFFFF4800  }
0x107: {  	[bflag:$0x0] =	sbarrier.arrive @!p0 $0xFFFF  }
0x108: {  	s30 =	rddreg [dreg:$0x9]  }
0x109: {  	[hbm:s30@s21], [sflag:s13] =	dma.strided @!p0 [spmem:s25@s8], $0x4000, s23, $0x10   }
0x10a: {  	_ =	swait.ge @!p0 [sflag:s24], $0x4000  }
0x10b: {  	[sflag:s24] =	ssyncset.done @!p0 $0x0  }
0x10c: {  	[sflag:s24] =	ssyncadd.s32 @!p0 $0xFFFFC000  }
0x10d: {  	[bflag:$0x0] =	sbarrier.arrive @!p0 $0xFFFF  }
0x10e: {  	s30 =	rddreg [dreg:$0xa]  }
0x10f: {  	[spmem:s20@s8], [sflag:s4] =	dma.strided @!p0 [hbm:s30@s3], $0xB800, s7, $0x10   }
0x110: {  	_ =	swait.ge @!p0 [sflag:s5], $0xB800  }
0x111: {  	[sflag:s5] =	ssyncset.done @!p0 $0x0  }
0x112: {  	[sflag:s5] =	ssyncadd.s32 @!p0 $0xFFFF4800  }
0x113: {  	[bflag:$0x0] =	sbarrier.arrive $0xFFFF  }
0x114: {  	s31 =	rddreg [dreg:$0xb]  }
0x115: {  	[hbm:s31@s10], [sflag:s13] =	dma.strided [spmem:s26@s11], $0x4000, s9, $0x10   }
0x116: {  	_ =	swait.ge [sflag:s28], $0x4000  }
0x117: {  	[sflag:s28] =	ssyncset.done $0x0  }
0x118: {  	[sflag:s28] =	ssyncadd.s32 $0xFFFFC000  }
0x119: {  	[bflag:$0x0] =	sbarrier.arrive $0xFFFF  }
0x11a: {  	[bflag:$0x0] =	sbarrier.arrive @p0 $0xFFFF  }
0x11b: {  	s30 =	rddreg [dreg:$0xc]  }
0x11c: {  	[hbm:s30@s15], [sflag:s13] =	dma.strided @p0 [spmem:s19@s16], $0x4000, s18, $0x10   }
0x11d: {  	_ =	swait.ge @p0 [sflag:s12], $0x4000  }
0x11e: {  	[sflag:s12] =	ssyncset.done @p0 $0x0  }
0x11f: {  	[sflag:s12] =	ssyncadd.s32 @p0 $0xFFFFC000  }
0x120: {  	[bflag:$0x0] =	sbarrier.arrive @p0 $0xFFFF  }
0x121: {  	s30 =	rddreg [dreg:$0xd]  }
0x122: {  	[spmem:s6@s8], [sflag:s4] =	dma.strided @!p0 [hbm:s30@s3], $0xB800, s7, $0x10   }
0x123: {  	_ =	swait.ge @!p0 [sflag:s5], $0xB800  }
0x124: {  	[sflag:s5] =	ssyncset.done @!p0 $0x0  }
0x125: {  	[sflag:s5] =	ssyncadd.s32 @!p0 $0xFFFF4800  }
0x126: {  	[bflag:$0x0] =	sbarrier.arrive @!p0 $0xFFFF  }
0x127: {  	s30 =	rddreg [dreg:$0xe]  }
0x128: {  	[hbm:s30@s21], [sflag:s13] =	dma.strided @!p0 [spmem:s25@s8], $0x4000, s23, $0x10   }
0x129: {  	_ =	swait.ge @!p0 [sflag:s24], $0x4000  }
0x12a: {  	[sflag:s24] =	ssyncset.done @!p0 $0x0  }
0x12b: {  	[sflag:s24] =	ssyncadd.s32 @!p0 $0xFFFFC000  }
0x12c: {  	[bflag:$0x0] =	sbarrier.arrive @!p0 $0xFFFF  }
0x12d: {  	s30 =	rddreg [dreg:$0xf]  }
0x12e: {  	[spmem:s20@s8], [sflag:s4] =	dma.strided @!p0 [hbm:s30@s3], $0xB800, s7, $0x10   }
0x12f: {  	_ =	swait.ge @!p0 [sflag:s5], $0xB800  }
0x130: {  	[sflag:s5] =	ssyncset.done @!p0 $0x0  }
0x131: {  	[sflag:s5] =	ssyncadd.s32 @!p0 $0xFFFF4800  }
0x132: {  	[bflag:$0x0] =	sbarrier.arrive $0xFFFF  }
0x133: {  	s31 =	rddreg [dreg:$0x10]  }
0x134: {  	[hbm:s31@s10], [sflag:s13] =	dma.strided [spmem:s26@s11], $0x4000, s9, $0x10   }
0x135: {  	_ =	swait.ge [sflag:s28], $0x4000  }
0x136: {  	[sflag:s28] =	ssyncset.done $0x0  }
0x137: {  	[sflag:s28] =	ssyncadd.s32 $0xFFFFC000  }
0x138: {  	[bflag:$0x0] =	sbarrier.arrive $0xFFFF  }
0x139: {  	[bflag:$0x0] =	sbarrier.arrive @p0 $0xFFFF  }
0x13a: {  	s30 =	rddreg [dreg:$0x11]  }
0x13b: {  	[hbm:s30@s15], [sflag:s13] =	dma.strided @p0 [spmem:s19@s16], $0x4000, s18, $0x10   }
0x13c: {  	_ =	swait.ge @p0 [sflag:s12], $0x4000  }
0x13d: {  	[sflag:s12] =	ssyncset.done @p0 $0x0  }
0x13e: {  	[sflag:s12] =	ssyncadd.s32 @p0 $0xFFFFC000  }
0x13f: {  	[bflag:$0x0] =	sbarrier.arrive @p0 $0xFFFF  }
0x140: {  	s30 =	rddreg [dreg:$0x12]  }
0x141: {  	[spmem:s6@s8], [sflag:s4] =	dma.strided @!p0 [hbm:s30@s3], $0xB800, s7, $0x10   }
0x142: {  	_ =	swait.ge @!p0 [sflag:s5], $0xB800  }
0x143: {  	[sflag:s5] =	ssyncset.done @!p0 $0x0  }
0x144: {  	[sflag:s5] =	ssyncadd.s32 @!p0 $0xFFFF4800  }
0x145: {  	[bflag:$0x0] =	sbarrier.arrive @!p0 $0xFFFF  }
0x146: {  	s30 =	rddreg [dreg:$0x13]  }
0x147: {  	[hbm:s30@s21], [sflag:s13] =	dma.strided @!p0 [spmem:s25@s8], $0x4000, s23, $0x10   }
0x148: {  	_ =	swait.ge @!p0 [sflag:s24], $0x4000  }
0x149: {  	[sflag:s24] =	ssyncset.done @!p0 $0x0  }
0x14a: {  	[sflag:s24] =	ssyncadd.s32 @!p0 $0xFFFFC000  }
0x14b: {  	[bflag:$0x0] =	sbarrier.arrive @!p0 $0xFFFF  }
0x14c: {  	s30 =	rddreg [dreg:$0x14]  }
0x14d: {  	[spmem:s20@s8], [sflag:s4] =	dma.strided @!p0 [hbm:s30@s3], $0xB800, s7, $0x10   }
0x14e: {  	_ =	swait.ge @!p0 [sflag:s5], $0xB800  }
0x14f: {  	[sflag:s5] =	ssyncset.done @!p0 $0x0  }
0x150: {  	[sflag:s5] =	ssyncadd.s32 @!p0 $0xFFFF4800  }
0x151: {  	[bflag:$0x0] =	sbarrier.arrive $0xFFFF  }
0x152: {  	s31 =	rddreg [dreg:$0x15]  }
0x153: {  	[hbm:s31@s10], [sflag:s13] =	dma.strided [spmem:s26@s11], $0x4000, s9, $0x10   }
0x154: {  	_ =	swait.ge [sflag:s28], $0x4000  }
0x155: {  	[sflag:s28] =	ssyncset.done $0x0  }
0x156: {  	[sflag:s28] =	ssyncadd.s32 $0xFFFFC000  }
0x157: {  	[bflag:$0x0] =	sbarrier.arrive $0xFFFF  }
0x158: {  	[bflag:$0x0] =	sbarrier.arrive @p0 $0xFFFF  }
0x159: {  	s30 =	rddreg [dreg:$0x16]  }
0x15a: {  	[hbm:s30@s15], [sflag:s13] =	dma.strided @p0 [spmem:s19@s16], $0x4000, s18, $0x10   }
0x15b: {  	_ =	swait.ge @p0 [sflag:s12], $0x4000  }
0x15c: {  	[sflag:s12] =	ssyncset.done @p0 $0x0  }
0x15d: {  	[sflag:s12] =	ssyncadd.s32 @p0 $0xFFFFC000  }
0x15e: {  	[bflag:$0x0] =	sbarrier.arrive @p0 $0xFFFF  }
0x15f: {  	s30 =	rddreg [dreg:$0x17]  }
0x160: {  	[spmem:s6@s8], [sflag:s4] =	dma.strided @!p0 [hbm:s30@s3], $0xB800, s7, $0x10   }
0x161: {  	_ =	swait.ge @!p0 [sflag:s5], $0xB800  }
0x162: {  	[sflag:s5] =	ssyncset.done @!p0 $0x0  }
0x163: {  	[sflag:s5] =	ssyncadd.s32 @!p0 $0xFFFF4800  }
0x164: {  	[bflag:$0x0] =	sbarrier.arrive @!p0 $0xFFFF  }
0x165: {  	s30 =	rddreg [dreg:$0x18]  }
0x166: {  	[hbm:s30@s21], [sflag:s13] =	dma.strided @!p0 [spmem:s25@s8], $0x4000, s23, $0x10   }
0x167: {  	_ =	swait.ge @!p0 [sflag:s24], $0x4000  }
0x168: {  	[sflag:s24] =	ssyncset.done @!p0 $0x0  }
0x169: {  	[sflag:s24] =	ssyncadd.s32 @!p0 $0xFFFFC000  }
0x16a: {  	[bflag:$0x0] =	sbarrier.arrive @!p0 $0xFFFF  }
0x16b: {  	s30 =	rddreg [dreg:$0x19]  }
0x16c: {  	[spmem:s20@s8], [sflag:s4] =	dma.strided @!p0 [hbm:s30@s3], $0xB800, s7, $0x10   }
0x16d: {  	_ =	swait.ge @!p0 [sflag:s5], $0xB800  }
0x16e: {  	[sflag:s5] =	ssyncset.done @!p0 $0x0  }
0x16f: {  	[sflag:s5] =	ssyncadd.s32 @!p0 $0xFFFF4800  }
0x170: {  	[bflag:$0x0] =	sbarrier.arrive $0xFFFF  }
0x171: {  	s31 =	rddreg [dreg:$0x1a]  }
0x172: {  	[hbm:s31@s10], [sflag:s13] =	dma.strided [spmem:s26@s11], $0x4000, s9, $0x10   }
0x173: {  	_ =	swait.ge [sflag:s28], $0x4000  }
0x174: {  	[sflag:s28] =	ssyncset.done $0x0  }
0x175: {  	[sflag:s28] =	ssyncadd.s32 $0xFFFFC000  }
0x176: {  	[bflag:$0x0] =	sbarrier.arrive $0xFFFF  }
0x177: {  	[bflag:$0x0] =	sbarrier.arrive @p0 $0xFFFF  }
0x178: {  	s30 =	rddreg [dreg:$0x1b]  }
0x179: {  	[hbm:s30@s15], [sflag:s13] =	dma.strided @p0 [spmem:s19@s16], $0x4000, s18, $0x10   }
0x17a: {  	_ =	swait.ge @p0 [sflag:s12], $0x4000  }
0x17b: {  	[sflag:s12] =	ssyncset.done @p0 $0x0  }
0x17c: {  	[sflag:s12] =	ssyncadd.s32 @p0 $0xFFFFC000  }
0x17d: {  	[bflag:$0x0] =	sbarrier.arrive @p0 $0xFFFF  }
0x17e: {  	s30 =	rddreg [dreg:$0x1c]  }
0x17f: {  	[spmem:s6@s8], [sflag:s4] =	dma.strided @!p0 [hbm:s30@s3], $0xB800, s7, $0x10   }
0x180: {  	_ =	swait.ge @!p0 [sflag:s5], $0xB800  }
0x181: {  	[sflag:s5] =	ssyncset.done @!p0 $0x0  }
0x182: {  	[sflag:s5] =	ssyncadd.s32 @!p0 $0xFFFF4800  }
0x183: {  	[bflag:$0x0] =	sbarrier.arrive @!p0 $0xFFFF  }
0x184: {  	s30 =	rddreg [dreg:$0x1d]  }
0x185: {  	[hbm:s30@s21], [sflag:s13] =	dma.strided @!p0 [spmem:s25@s8], $0x4000, s23, $0x10   }
0x186: {  	_ =	swait.ge @!p0 [sflag:s24], $0x4000  }
0x187: {  	[sflag:s24] =	ssyncset.done @!p0 $0x0  }
0x188: {  	[sflag:s24] =	ssyncadd.s32 @!p0 $0xFFFFC000  }
0x189: {  	[bflag:$0x0] =	sbarrier.arrive @!p0 $0xFFFF  }
0x18a: {  	s30 =	rddreg [dreg:$0x1e]  }
0x18b: {  	[spmem:s20@s8], [sflag:s4] =	dma.strided @!p0 [hbm:s30@s3], $0xB800, s7, $0x10   }
0x18c: {  	_ =	swait.ge @!p0 [sflag:s5], $0xB800  }
0x18d: {  	[sflag:s5] =	ssyncset.done @!p0 $0x0  }
0x18e: {  	[sflag:s5] =	ssyncadd.s32 @!p0 $0xFFFF4800  }
0x18f: {  	s29 =	sadd.s32 $0xFFFFFFFF, s29;
	[bflag:$0x0] =	sbarrier.arrive $0xFFFF  }
0x190: {  	p1 =	sne.s32 s29, $0x0;
	s31 =	rddreg [dreg:$0x1f]  }
0x191: {  	[hbm:s31@s10], [sflag:s13] =	dma.strided [spmem:s26@s11], $0x4000, s9, $0x10   }
.Ltmp1:
0x192: {  	_ =	swait.ge [sflag:s28], $0x4000;
	(pc) =	sbr.rel @p1 .LBB2_1-.Ltmp1, $4  }
0x193: {  	[sflag:s28] =	ssyncset.done $0x0  }
0x194: {  	[sflag:s28] =	ssyncadd.s32 $0xFFFFC000  }
0x195: {  	_ =	swait.ge [sflag:s28], $0x4000  }
0x196: {  	[sflag:s28] =	ssyncset.done $0x0  }
.LBB2_2:
0x197: {  	[sflag:s28] =	ssyncadd.s32 $0xFFFFC000  }
0x198: {  	_ =	sfence.sel $0x180000  }
0x199: {  	[bflag:$0x0] =	sbarrier.arrive $0xFFFF  }
0x19a: {  	_ =	strace $0x90000047  }
0x19b: {  	s0 =	sadd.s32 @!p0 $0x100000, s0;
	[bflag:$0x2] =	sbarrier.arrive $0xFFFF  }
0x19c: {  	[sflag:s0] =	ssyncadd.tile.s32 @!p0 $0x1;
	_ =	shalt  }
.Lfunc_end2:
_tile_overlayer_lowered:
.L_overlay_start_2:
0x19d: {  	(tag) =	ssettag $0x2  }
0x19e: {  	s0 =	rddreg [dreg:$0x0];
	s2 =	stileid.u32  }
0x19f: {  	s1 =	rddreg [dreg:$0x1];
	p0 =	sne.s32 s2, $0x0  }
0x1a0: {  	s3 =	rddreg [dreg:$0x2];
	[bflag:$0x3] =	sbarrier.arrive $0xFFFF;
	s2 =	simm.s32 @!p0 $0x1C02  }
0x1a1: {  	[timem:s3], [sflag:s2] =	dma.local @!p0 [hbm:s0], s1  }
0x1a2: {  	s0 =	simm.s32 @!p0 $0x2  }
0x1a3: {  	_ =	swait.ge @!p0 [sflag:s0], s1  }
0x1a4: {  	s1 =	ssub.s32 @!p0 $0x0, s1;
	[sflag:s0] =	ssyncset.done @!p0 $0x0  }
0x1a5: {  	[sflag:s0] =	ssyncadd.s32 @!p0 s1  }
0x1a6: {  	[bflag:$0x3] =	sbarrier.arrive $0xFFFF  }
0x1a7: {  	_ =	shalt  }

</sc_bundles>
